<compile_context>
chip_gen: v7x
topology: tpu7x:2x2x1
jax: 0.10.2.dev20260603
libtpu: 0.0.44.dev20260713+nightly
codegen_flags: <defaults>
</compile_context>

<pallas_src>
import jax
import jax.numpy as jnp
from jax import lax
from jax.experimental import pallas as pl
from jax.experimental.pallas import tpu as pltpu
from jax.experimental.pallas import tpu_sc as plsc

N_NODES_C = 10000
N_PAD = 10240
N_EDGES_C = 320000
N_GRAPHS_C = 64
NT = 16
E_T = N_EDGES_C // NT
NODES_T = N_PAD // NT
L = 16


def _proj_body(x_ref, wrel_ref, wroot_ref, brel_ref, batch_ref, wfc_ref,
               bfc_ref, prel_ref, q_ref, bp_ref, par_ref):
    x = x_ref[...]
    dn = (((1,), (1,)), ((), ()))
    pr = lax.dot_general(wrel_ref[...], x, dn,
                         preferred_element_type=jnp.float32)
    qq = lax.dot_general(wroot_ref[...], x, dn,
                         preferred_element_type=jnp.float32) + brel_ref[...]
    prel_ref[:, pl.ds(0, N_NODES_C)] = pr
    q_ref[:, pl.ds(0, N_NODES_C)] = qq
    zt = jnp.zeros((1, N_PAD - N_NODES_C), jnp.float32)
    prel_ref[:, pl.ds(N_NODES_C, N_PAD - N_NODES_C)] = zt
    q_ref[:, pl.ds(N_NODES_C, N_PAD - N_NODES_C)] = zt
    bp_ref[:, pl.ds(0, N_NODES_C)] = jnp.reshape(batch_ref[...],
                                                 (1, N_NODES_C))
    bp_ref[:, pl.ds(N_NODES_C, N_PAD - N_NODES_C)] = jnp.full(
        (1, N_PAD - N_NODES_C), N_GRAPHS_C, jnp.int32)
    par_ref[...] = jnp.concatenate(
        [jnp.broadcast_to(wfc_ref[...], (1, L)),
         jnp.broadcast_to(jnp.reshape(bfc_ref[...], (1, 1)), (1, L)),
         jnp.zeros((1, 128 - 2 * L), jnp.float32)], axis=1)


def _sc_body(prel_hbm, q_hbm, ei_hbm, ew_hbm, bp_hbm, par_hbm,
             out_hbm,
             src_v, dst_v, ew_v, pv_v, ones_v,
             stage_v, a_v, d_v, q_v, h_v, batch_v,
             pool_v, cnt_v, y_v, par_v,
             s_src, s_dst, s_ew, s_p, s_q, s_b,
             p_s, q_s, agg_s, deg_s, pool_s, cnt_s):
    wid = lax.axis_index("s")
    nbase = wid * NODES_T
    ebase = wid * E_T

    cp_src = pltpu.async_copy(ei_hbm.at[pl.ds(ebase, E_T)], src_v, s_src)
    cp_dst = pltpu.async_copy(ei_hbm.at[pl.ds(N_EDGES_C + ebase, E_T)],
                              dst_v, s_dst)
    cp_ew = pltpu.async_copy(ew_hbm.at[pl.ds(ebase, E_T)], ew_v, s_ew)
    cp_p = pltpu.async_copy(prel_hbm.at[pl.ds(nbase, NODES_T)], a_v, s_p)
    cp_q = pltpu.async_copy(q_hbm.at[pl.ds(nbase, NODES_T)], d_v, s_q)
    cp_b = pltpu.async_copy(bp_hbm.at[pl.ds(nbase, NODES_T)], batch_v, s_b)

    def _fill_zero(i, _):
        stage_v[pl.ds(i * L, L)] = jnp.zeros((L,), jnp.float32)
        return 0
    lax.fori_loop(0, NODES_T // L, _fill_zero, 0)

    def _fill_one(i, _):
        ones_v[pl.ds(i * L, L)] = jnp.ones((L,), jnp.float32)
        return 0
    lax.fori_loop(0, E_T // L, _fill_one, 0)

    pltpu.sync_copy(stage_v, agg_s.at[pl.ds(nbase, NODES_T)])
    pltpu.sync_copy(stage_v, deg_s.at[pl.ds(nbase, NODES_T)])

    @pl.when(wid == 0)
    def _zero_pool():
        pltpu.sync_copy(stage_v.at[pl.ds(0, 2 * N_GRAPHS_C)], pool_s)
        pltpu.sync_copy(stage_v.at[pl.ds(0, 2 * N_GRAPHS_C)], cnt_s)

    cp_p.wait()
    pltpu.sync_copy(a_v, p_s.at[pl.ds(nbase, NODES_T)])
    cp_q.wait()
    pltpu.sync_copy(d_v, q_s.at[pl.ds(nbase, NODES_T)])
    cp_src.wait()
    cp_dst.wait()
    cp_ew.wait()
    cp_b.wait()

    plsc.subcore_barrier()

    pltpu.sync_copy(p_s.at[src_v], pv_v)

    def _msg(i, _):
        sl = pl.ds(i * L, L)
        pv_v[sl] = pv_v[sl] * ew_v[sl]
        return 0
    lax.fori_loop(0, E_T // L, _msg, 0)

    cs_a = pltpu.async_copy(pv_v, agg_s.at[dst_v], s_p, add=True)
    cs_d = pltpu.async_copy(ones_v, deg_s.at[dst_v], s_q, add=True)
    cs_a.wait()
    cs_d.wait()

    plsc.subcore_barrier()

    cn_a = pltpu.async_copy(agg_s.at[pl.ds(nbase, NODES_T)], a_v, s_p)
    cn_d = pltpu.async_copy(deg_s.at[pl.ds(nbase, NODES_T)], d_v, s_q)
    cn_q = pltpu.async_copy(q_s.at[pl.ds(nbase, NODES_T)], q_v, s_b)
    cn_a.wait()
    cn_d.wait()
    cn_q.wait()

    def _node(i, _):
        sl = pl.ds(i * L, L)
        z = a_v[sl] / jnp.maximum(d_v[sl], 1.0) + q_v[sl]
        h_v[sl] = jnp.maximum(z, 0.0)
        return 0
    lax.fori_loop(0, NODES_T // L, _node, 0)

    cp_pool = pltpu.async_copy(h_v, pool_s.at[batch_v], s_p, add=True)
    cp_cnt = pltpu.async_copy(ones_v.at[pl.ds(0, NODES_T)],
                              cnt_s.at[batch_v], s_q, add=True)
    cp_pool.wait()
    cp_cnt.wait()

    plsc.subcore_barrier()

    @pl.when(wid == 0)
    def _final():
        pltpu.sync_copy(pool_s.at[pl.ds(0, N_GRAPHS_C)], pool_v)
        pltpu.sync_copy(cnt_s.at[pl.ds(0, N_GRAPHS_C)], cnt_v)
        pltpu.sync_copy(par_hbm.at[pl.ds(0, 2 * L)], par_v)
        wfc = par_v[pl.ds(0, L)]
        bfc = par_v[pl.ds(L, L)]
        for j in range(N_GRAPHS_C // L):
            sl = pl.ds(j * L, L)
            z = pool_v[sl] / jnp.maximum(cnt_v[sl], 1.0) * wfc + bfc
            y_v[sl] = 1.0 / (1.0 + jnp.exp(-z))
        pltpu.sync_copy(y_v, out_hbm)


_sc_call = pl.kernel(
    _sc_body,
    out_type=jax.ShapeDtypeStruct((N_GRAPHS_C,), jnp.float32),
    mesh=plsc.VectorSubcoreMesh(core_axis_name="c", subcore_axis_name="s",
                                num_cores=1),
    scratch_types=[
        pltpu.VMEM((E_T,), jnp.int32),
        pltpu.VMEM((E_T,), jnp.int32),
        pltpu.VMEM((E_T,), jnp.float32),
        pltpu.VMEM((E_T,), jnp.float32),
        pltpu.VMEM((E_T,), jnp.float32),
        pltpu.VMEM((NODES_T,), jnp.float32),
        pltpu.VMEM((NODES_T,), jnp.float32),
        pltpu.VMEM((NODES_T,), jnp.float32),
        pltpu.VMEM((NODES_T,), jnp.float32),
        pltpu.VMEM((NODES_T,), jnp.float32),
        pltpu.VMEM((NODES_T,), jnp.int32),
        pltpu.VMEM((N_GRAPHS_C,), jnp.float32),
        pltpu.VMEM((N_GRAPHS_C,), jnp.float32),
        pltpu.VMEM((N_GRAPHS_C,), jnp.float32),
        pltpu.VMEM((2 * L,), jnp.float32),
        pltpu.SemaphoreType.DMA,
        pltpu.SemaphoreType.DMA,
        pltpu.SemaphoreType.DMA,
        pltpu.SemaphoreType.DMA,
        pltpu.SemaphoreType.DMA,
        pltpu.SemaphoreType.DMA,
        pltpu.VMEM_SHARED((N_PAD,), jnp.float32),
        pltpu.VMEM_SHARED((N_PAD,), jnp.float32),
        pltpu.VMEM_SHARED((N_PAD,), jnp.float32),
        pltpu.VMEM_SHARED((N_PAD,), jnp.float32),
        pltpu.VMEM_SHARED((2 * N_GRAPHS_C,), jnp.float32),
        pltpu.VMEM_SHARED((2 * N_GRAPHS_C,), jnp.float32),
    ],
)


@jax.jit
def kernel(x, edge_index, edge_weight, batch, W_rel, b_rel, W_root, W_fc, b_fc):
    ei_flat = edge_index.astype(jnp.int32).reshape(2 * N_EDGES_C)

    prel2, q2, bp2, par2 = pl.pallas_call(
        _proj_body,
        out_shape=[jax.ShapeDtypeStruct((1, N_PAD), jnp.float32),
                   jax.ShapeDtypeStruct((1, N_PAD), jnp.float32),
                   jax.ShapeDtypeStruct((1, N_PAD), jnp.int32),
                   jax.ShapeDtypeStruct((1, 128), jnp.float32)],
    )(x, W_rel, W_root, jnp.reshape(b_rel, (1, 1)),
      batch.astype(jnp.int32), W_fc, b_fc)

    y = _sc_call(prel2.reshape(N_PAD), q2.reshape(N_PAD),
                 ei_flat, edge_weight, bp2.reshape(N_PAD), par2.reshape(128))
    return y[:, None]

# --- scband reference (transcript-rebuilt; emitter-appended) ---
"""Pipeline reference for scband-gnn-72670846649175 (READ-ONLY COPY).

The authoritative reference and input builder live on the scoring server;
editing this copy changes nothing except your own understanding.
"""

import jax, jax.numpy as jnp
import numpy as np

N_NODES = 10000
N_EDGES = 320000
D_FEAT = 128
HIDDEN_SIZE = 1
N_GRAPHS = 64


def setup_inputs(seed: int = 0) -> dict:
    key = jax.random.key(seed)
    k1, k2, k3, k4, k5, k6, k7, k8, k9 = jax.random.split(key, 9)
    x = jax.random.normal(k1, (N_NODES, D_FEAT), dtype=jnp.float32)
    edge_index = jax.random.randint(k2, (2, N_EDGES), 0, N_NODES, dtype=jnp.int64)
    edge_weight = jax.random.uniform(k3, (N_EDGES,), dtype=jnp.float32)
    batch = jnp.sort(jax.random.randint(k4, (N_NODES,), 0, N_GRAPHS, dtype=jnp.int64))
    # GraphConv(input_size=128, out=1, aggr='mean'): lin_rel (with bias), lin_root (no bias)
    s = 1.0 / np.sqrt(D_FEAT)
    W_rel = jax.random.uniform(k5, (HIDDEN_SIZE, D_FEAT), minval=-s, maxval=s, dtype=jnp.float32)
    b_rel = jax.random.uniform(k6, (HIDDEN_SIZE,), minval=-s, maxval=s, dtype=jnp.float32)
    W_root = jax.random.uniform(k7, (HIDDEN_SIZE, D_FEAT), minval=-s, maxval=s, dtype=jnp.float32)
    # fc: Linear(1, 1)
    W_fc = jax.random.uniform(k8, (1, HIDDEN_SIZE), minval=-1.0, maxval=1.0, dtype=jnp.float32)
    b_fc = jax.random.uniform(k9, (1,), minval=-1.0, maxval=1.0, dtype=jnp.float32)
    return {"x": x, "edge_index": edge_index, "edge_weight": edge_weight, "batch": batch,
            "W_rel": W_rel, "b_rel": b_rel, "W_root": W_root, "W_fc": W_fc, "b_fc": b_fc}


def reference(x, edge_index, edge_weight, batch, W_rel, b_rel, W_root, W_fc, b_fc):
    src = edge_index[0]
    dst = edge_index[1]
    # GraphConv mean aggregation: message = edge_weight * x_j, mean over incoming edges at dst
    msg = x[src] * edge_weight[:, None]
    agg_sum = jax.ops.segment_sum(msg, dst, num_segments=N_NODES)
    deg = jax.ops.segment_sum(jnp.ones((N_EDGES,), dtype=jnp.float32), dst, num_segments=N_NODES)
    agg = agg_sum / jnp.maximum(deg, 1.0)[:, None]
    h = agg @ W_rel.T + b_rel + x @ W_root.T
    h = jax.nn.relu(h)
    # global_mean_pool over graphs
    pooled_sum = jax.ops.segment_sum(h, batch, num_segments=N_GRAPHS)
    cnt = jax.ops.segment_sum(jnp.ones((N_NODES,), dtype=jnp.float32), batch, num_segments=N_GRAPHS)
    pooled = pooled_sum / jnp.maximum(cnt, 1.0)[:, None]
    y = pooled @ W_fc.T + b_fc
    return jax.nn.sigmoid(y)

if __name__ == "__main__":
    import jax
    _d = setup_inputs()
    print(jax.jit(kernel)(*tuple(_d.values())))

</pallas_src>

<mosaic_0001>
#map = affine_map<(d0, d1) -> (0)>
module attributes {stable_mosaic.version = 14 : i64} {
  func.func @_sc_body(%arg0: i32, %arg1: i32, %arg2: memref<10240xf32, #tpu.memory_space<hbm>>, %arg3: memref<10240xf32, #tpu.memory_space<hbm>>, %arg4: memref<640000xi32, #tpu.memory_space<hbm>>, %arg5: memref<320000xf32, #tpu.memory_space<hbm>>, %arg6: memref<10240xi32, #tpu.memory_space<hbm>>, %arg7: memref<128xf32, #tpu.memory_space<hbm>>, %arg8: memref<64xf32, #tpu.memory_space<hbm>>, %arg9: memref<20000xi32, #tpu.memory_space<vmem>>, %arg10: memref<20000xi32, #tpu.memory_space<vmem>>, %arg11: memref<20000xf32, #tpu.memory_space<vmem>>, %arg12: memref<20000xf32, #tpu.memory_space<vmem>>, %arg13: memref<20000xf32, #tpu.memory_space<vmem>>, %arg14: memref<640xf32, #tpu.memory_space<vmem>>, %arg15: memref<640xf32, #tpu.memory_space<vmem>>, %arg16: memref<640xf32, #tpu.memory_space<vmem>>, %arg17: memref<640xf32, #tpu.memory_space<vmem>>, %arg18: memref<640xf32, #tpu.memory_space<vmem>>, %arg19: memref<640xi32, #tpu.memory_space<vmem>>, %arg20: memref<64xf32, #tpu.memory_space<vmem>>, %arg21: memref<64xf32, #tpu.memory_space<vmem>>, %arg22: memref<64xf32, #tpu.memory_space<vmem>>, %arg23: memref<32xf32, #tpu.memory_space<vmem>>, %arg24: memref<!tpu.dma_semaphore, #tpu.memory_space<semaphore_mem>>, %arg25: memref<!tpu.dma_semaphore, #tpu.memory_space<semaphore_mem>>, %arg26: memref<!tpu.dma_semaphore, #tpu.memory_space<semaphore_mem>>, %arg27: memref<!tpu.dma_semaphore, #tpu.memory_space<semaphore_mem>>, %arg28: memref<!tpu.dma_semaphore, #tpu.memory_space<semaphore_mem>>, %arg29: memref<!tpu.dma_semaphore, #tpu.memory_space<semaphore_mem>>, %arg30: memref<10240xf32, #tpu.memory_space<vmem_shared>>, %arg31: memref<10240xf32, #tpu.memory_space<vmem_shared>>, %arg32: memref<10240xf32, #tpu.memory_space<vmem_shared>>, %arg33: memref<10240xf32, #tpu.memory_space<vmem_shared>>, %arg34: memref<128xf32, #tpu.memory_space<vmem_shared>>, %arg35: memref<128xf32, #tpu.memory_space<vmem_shared>>) attributes {dimension_semantics = [#tpu.dimension_semantics<core_parallel>, #tpu.dimension_semantics<subcore_parallel>], iteration_bounds = array<i64: 1, 16>, scalar_prefetch = 0 : i64, scratch_operands = 27 : i64, tpu.core_type = #tpu.core_type<sc_vector_subcore>, window_params = [{transform_indices = #map}, {transform_indices = #map}, {transform_indices = #map}, {transform_indices = #map}, {transform_indices = #map}, {transform_indices = #map}, {transform_indices = #map}]} {
    %mul3A = arith.constant 640 : i32
    %mul3A_0 = arith.muli %arg1, %mul3A : i32
    %mul3A_1 = arith.constant 20000 : i32
    %mul3A_2 = arith.muli %arg1, %mul3A_1 : i32
    %dma_start3A = tpu.memref_slice %arg4[%mul3A_2] : memref<640000xi32, #tpu.memory_space<hbm>> -> memref<20000xi32, #tpu.memory_space<hbm>>
    %dma_start3A_3 = tpu.memref_slice %arg4[%mul3A_2] : memref<640000xi32, #tpu.memory_space<hbm>> -> memref<20000xi32, #tpu.memory_space<hbm>>
    tpu.enqueue_dma source(%dma_start3A_3 : memref<20000xi32, #tpu.memory_space<hbm>>) target(%arg9 : memref<20000xi32, #tpu.memory_space<vmem>>) target_semaphore(%arg24 : memref<!tpu.dma_semaphore, #tpu.memory_space<semaphore_mem>>)
    %add3A = arith.constant 320000 : i32
    %add3A_4 = arith.addi %add3A, %mul3A_2 : i32
    %dma_start3A_5 = tpu.memref_slice %arg4[%add3A_4] : memref<640000xi32, #tpu.memory_space<hbm>> -> memref<20000xi32, #tpu.memory_space<hbm>>
    %dma_start3A_6 = tpu.memref_slice %arg4[%add3A_4] : memref<640000xi32, #tpu.memory_space<hbm>> -> memref<20000xi32, #tpu.memory_space<hbm>>
    tpu.enqueue_dma source(%dma_start3A_6 : memref<20000xi32, #tpu.memory_space<hbm>>) target(%arg10 : memref<20000xi32, #tpu.memory_space<vmem>>) target_semaphore(%arg25 : memref<!tpu.dma_semaphore, #tpu.memory_space<semaphore_mem>>)
    %dma_start3A_7 = tpu.memref_slice %arg5[%mul3A_2] : memref<320000xf32, #tpu.memory_space<hbm>> -> memref<20000xf32, #tpu.memory_space<hbm>>
    %dma_start3A_8 = tpu.memref_slice %arg5[%mul3A_2] : memref<320000xf32, #tpu.memory_space<hbm>> -> memref<20000xf32, #tpu.memory_space<hbm>>
    tpu.enqueue_dma source(%dma_start3A_8 : memref<20000xf32, #tpu.memory_space<hbm>>) target(%arg11 : memref<20000xf32, #tpu.memory_space<vmem>>) target_semaphore(%arg26 : memref<!tpu.dma_semaphore, #tpu.memory_space<semaphore_mem>>)
    %dma_start3A_9 = tpu.memref_slice %arg2[%mul3A_0] : memref<10240xf32, #tpu.memory_space<hbm>> -> memref<640xf32, #tpu.memory_space<hbm>>
    %dma_start3A_10 = tpu.memref_slice %arg2[%mul3A_0] : memref<10240xf32, #tpu.memory_space<hbm>> -> memref<640xf32, #tpu.memory_space<hbm>>
    tpu.enqueue_dma source(%dma_start3A_10 : memref<640xf32, #tpu.memory_space<hbm>>) target(%arg15 : memref<640xf32, #tpu.memory_space<vmem>>) target_semaphore(%arg27 : memref<!tpu.dma_semaphore, #tpu.memory_space<semaphore_mem>>)
    %dma_start3A_11 = tpu.memref_slice %arg3[%mul3A_0] : memref<10240xf32, #tpu.memory_space<hbm>> -> memref<640xf32, #tpu.memory_space<hbm>>
    %dma_start3A_12 = tpu.memref_slice %arg3[%mul3A_0] : memref<10240xf32, #tpu.memory_space<hbm>> -> memref<640xf32, #tpu.memory_space<hbm>>
    tpu.enqueue_dma source(%dma_start3A_12 : memref<640xf32, #tpu.memory_space<hbm>>) target(%arg16 : memref<640xf32, #tpu.memory_space<vmem>>) target_semaphore(%arg28 : memref<!tpu.dma_semaphore, #tpu.memory_space<semaphore_mem>>)
    %dma_start3A_13 = tpu.memref_slice %arg6[%mul3A_0] : memref<10240xi32, #tpu.memory_space<hbm>> -> memref<640xi32, #tpu.memory_space<hbm>>
    %dma_start3A_14 = tpu.memref_slice %arg6[%mul3A_0] : memref<10240xi32, #tpu.memory_space<hbm>> -> memref<640xi32, #tpu.memory_space<hbm>>
    tpu.enqueue_dma source(%dma_start3A_14 : memref<640xi32, #tpu.memory_space<hbm>>) target(%arg19 : memref<640xi32, #tpu.memory_space<vmem>>) target_semaphore(%arg29 : memref<!tpu.dma_semaphore, #tpu.memory_space<semaphore_mem>>)
    %scan3A = arith.constant 0 : i32
    %scan3A_15 = arith.constant 0 : i32
    %scan3A_16 = arith.constant 40 : i32
    %scan3A_17 = arith.addi %scan3A_15, %scan3A_16 : i32
    %scan3A_18 = arith.constant 1 : i32
    %scan3A_19 = scf.for %scan3A_94 = %scan3A_15 to %scan3A_17 step %scan3A_18 iter_args(%scan3A_95 = %scan3A) -> (i32)  : i32 {
      %broadcast_in_dim3A = arith.constant 0.000000e+00 : f32
      %broadcast_in_dim3A_96 = vector.broadcast %broadcast_in_dim3A : f32 to vector<16xf32>
      %mul3A_97 = arith.constant 16 : i32
      %mul3A_98 = arith.muli %scan3A_94, %mul3A_97 : i32
      %swap3A = arith.index_cast %mul3A_98 : i32 to index
      %swap3A_99 = tpu.vector_load %arg14[%swap3A] {strides = array<i32>} : memref<640xf32, #tpu.memory_space<vmem>>, vector<16xf32>,
      %swap3A_100 = vector.shape_cast %swap3A_99 : vector<16xf32> to vector<16xf32>
      %swap3A_101 = vector.shape_cast %broadcast_in_dim3A_96 : vector<16xf32> to vector<16xf32>
      tpu.vector_store %arg14[%swap3A], %swap3A_101 {strides = array<i32>} : memref<640xf32, #tpu.memory_space<vmem>>, vector<16xf32>,
      %scan3A_102 = arith.constant 0 : i32
      scf.yield %scan3A_102 : i32
    }
    %scan3A_20 = arith.constant 40 : i32
    %scan3A_21 = arith.constant 0 : i32
    %scan3A_22 = arith.constant 0 : i32
    %scan3A_23 = arith.constant 1250 : i32
    %scan3A_24 = arith.addi %scan3A_22, %scan3A_23 : i32
    %scan3A_25 = arith.constant 1 : i32
    %scan3A_26 = scf.for %scan3A_94 = %scan3A_22 to %scan3A_24 step %scan3A_25 iter_args(%scan3A_95 = %scan3A_21) -> (i32)  : i32 {
      %broadcast_in_dim3A = arith.constant 1.000000e+00 : f32
      %broadcast_in_dim3A_96 = vector.broadcast %broadcast_in_dim3A : f32 to vector<16xf32>
      %mul3A_97 = arith.constant 16 : i32
      %mul3A_98 = arith.muli %scan3A_94, %mul3A_97 : i32
      %swap3A = arith.index_cast %mul3A_98 : i32 to index
      %swap3A_99 = tpu.vector_load %arg13[%swap3A] {strides = array<i32>} : memref<20000xf32, #tpu.memory_space<vmem>>, vector<16xf32>,
      %swap3A_100 = vector.shape_cast %swap3A_99 : vector<16xf32> to vector<16xf32>
      %swap3A_101 = vector.shape_cast %broadcast_in_dim3A_96 : vector<16xf32> to vector<16xf32>
      tpu.vector_store %arg13[%swap3A], %swap3A_101 {strides = array<i32>} : memref<20000xf32, #tpu.memory_space<vmem>>, vector<16xf32>,
      %scan3A_102 = arith.constant 0 : i32
      scf.yield %scan3A_102 : i32
    }
    %scan3A_27 = arith.constant 1250 : i32
    "tpu.region"() ({
      %run_scoped3A = tpu.sem_alloc : memref<!tpu.dma_semaphore, #tpu.memory_space<semaphore_mem>>
      %dma_start3A_94 = tpu.memref_slice %arg32[%mul3A_0] : memref<10240xf32, #tpu.memory_space<vmem_shared>> -> memref<640xf32, #tpu.memory_space<vmem_shared>>
      %dma_start3A_95 = tpu.memref_slice %arg32[%mul3A_0] : memref<10240xf32, #tpu.memory_space<vmem_shared>> -> memref<640xf32, #tpu.memory_space<vmem_shared>>
      tpu.enqueue_dma source(%arg14 : memref<640xf32, #tpu.memory_space<vmem>>) target(%dma_start3A_95 : memref<640xf32, #tpu.memory_space<vmem_shared>>) target_semaphore(%run_scoped3A : memref<!tpu.dma_semaphore, #tpu.memory_space<semaphore_mem>>)
      %dma_wait3A_96 = tpu.memref_slice %arg32[%mul3A_0] : memref<10240xf32, #tpu.memory_space<vmem_shared>> -> memref<640xf32, #tpu.memory_space<vmem_shared>>
      %dma_wait3A_97 = tpu.memref_slice %arg32[%mul3A_0] : memref<10240xf32, #tpu.memory_space<vmem_shared>> -> memref<640xf32, #tpu.memory_space<vmem_shared>>
      tpu.wait_dma2 semaphore(%run_scoped3A : memref<!tpu.dma_semaphore, #tpu.memory_space<semaphore_mem>>) src(%arg14 : memref<640xf32, #tpu.memory_space<vmem>>) dst(%dma_wait3A_97 : memref<640xf32, #tpu.memory_space<vmem_shared>>)
      tpu.yield
    }) : () -> ()
    "tpu.region"() ({
      %run_scoped3A = tpu.sem_alloc : memref<!tpu.dma_semaphore, #tpu.memory_space<semaphore_mem>>
      %dma_start3A_94 = tpu.memref_slice %arg33[%mul3A_0] : memref<10240xf32, #tpu.memory_space<vmem_shared>> -> memref<640xf32, #tpu.memory_space<vmem_shared>>
      %dma_start3A_95 = tpu.memref_slice %arg33[%mul3A_0] : memref<10240xf32, #tpu.memory_space<vmem_shared>> -> memref<640xf32, #tpu.memory_space<vmem_shared>>
      tpu.enqueue_dma source(%arg14 : memref<640xf32, #tpu.memory_space<vmem>>) target(%dma_start3A_95 : memref<640xf32, #tpu.memory_space<vmem_shared>>) target_semaphore(%run_scoped3A : memref<!tpu.dma_semaphore, #tpu.memory_space<semaphore_mem>>)
      %dma_wait3A_96 = tpu.memref_slice %arg33[%mul3A_0] : memref<10240xf32, #tpu.memory_space<vmem_shared>> -> memref<640xf32, #tpu.memory_space<vmem_shared>>
      %dma_wait3A_97 = tpu.memref_slice %arg33[%mul3A_0] : memref<10240xf32, #tpu.memory_space<vmem_shared>> -> memref<640xf32, #tpu.memory_space<vmem_shared>>
      tpu.wait_dma2 semaphore(%run_scoped3A : memref<!tpu.dma_semaphore, #tpu.memory_space<semaphore_mem>>) src(%arg14 : memref<640xf32, #tpu.memory_space<vmem>>) dst(%dma_wait3A_97 : memref<640xf32, #tpu.memory_space<vmem_shared>>)
      tpu.yield
    }) : () -> ()
    %eq3A = arith.constant 0 : i32
    %eq3A_28 = arith.cmpi eq, %arg1, %eq3A : i32
    %convert_element_type3A = arith.extui %eq3A_28 : i1 to i32
    %cond3A = arith.constant 0 : i32
    %cond3A_29 = arith.cmpi ne, %convert_element_type3A, %cond3A : i32
    scf.if %cond3A_29 {
      "tpu.region"() ({
        %run_scoped3A = tpu.sem_alloc : memref<!tpu.dma_semaphore, #tpu.memory_space<semaphore_mem>>
        %dma_start3A_94 = arith.constant 0 : i32
        %dma_start3A_95 = tpu.memref_slice %arg14[%dma_start3A_94] : memref<640xf32, #tpu.memory_space<vmem>> -> memref<128xf32, #tpu.memory_space<vmem>>
        %dma_start3A_96 = arith.constant 0 : i32
        %dma_start3A_97 = tpu.memref_slice %arg14[%dma_start3A_96] : memref<640xf32, #tpu.memory_space<vmem>> -> memref<128xf32, #tpu.memory_space<vmem>>
        tpu.enqueue_dma source(%dma_start3A_97 : memref<128xf32, #tpu.memory_space<vmem>>) target(%arg34 : memref<128xf32, #tpu.memory_space<vmem_shared>>) target_semaphore(%run_scoped3A : memref<!tpu.dma_semaphore, #tpu.memory_space<semaphore_mem>>)
        %dma_wait3A_98 = arith.constant 0 : i32
        %dma_wait3A_99 = tpu.memref_slice %arg14[%dma_wait3A_98] : memref<640xf32, #tpu.memory_space<vmem>> -> memref<128xf32, #tpu.memory_space<vmem>>
        %dma_wait3A_100 = arith.constant 0 : i32
        %dma_wait3A_101 = tpu.memref_slice %arg14[%dma_wait3A_100] : memref<640xf32, #tpu.memory_space<vmem>> -> memref<128xf32, #tpu.memory_space<vmem>>
        tpu.wait_dma2 semaphore(%run_scoped3A : memref<!tpu.dma_semaphore, #tpu.memory_space<semaphore_mem>>) src(%dma_wait3A_101 : memref<128xf32, #tpu.memory_space<vmem>>) dst(%arg34 : memref<128xf32, #tpu.memory_space<vmem_shared>>)
        tpu.yield
      }) : () -> ()
      "tpu.region"() ({
        %run_scoped3A = tpu.sem_alloc : memref<!tpu.dma_semaphore, #tpu.memory_space<semaphore_mem>>
        %dma_start3A_94 = arith.constant 0 : i32
        %dma_start3A_95 = tpu.memref_slice %arg14[%dma_start3A_94] : memref<640xf32, #tpu.memory_space<vmem>> -> memref<128xf32, #tpu.memory_space<vmem>>
        %dma_start3A_96 = arith.constant 0 : i32
        %dma_start3A_97 = tpu.memref_slice %arg14[%dma_start3A_96] : memref<640xf32, #tpu.memory_space<vmem>> -> memref<128xf32, #tpu.memory_space<vmem>>
        tpu.enqueue_dma source(%dma_start3A_97 : memref<128xf32, #tpu.memory_space<vmem>>) target(%arg35 : memref<128xf32, #tpu.memory_space<vmem_shared>>) target_semaphore(%run_scoped3A : memref<!tpu.dma_semaphore, #tpu.memory_space<semaphore_mem>>)
        %dma_wait3A_98 = arith.constant 0 : i32
        %dma_wait3A_99 = tpu.memref_slice %arg14[%dma_wait3A_98] : memref<640xf32, #tpu.memory_space<vmem>> -> memref<128xf32, #tpu.memory_space<vmem>>
        %dma_wait3A_100 = arith.constant 0 : i32
        %dma_wait3A_101 = tpu.memref_slice %arg14[%dma_wait3A_100] : memref<640xf32, #tpu.memory_space<vmem>> -> memref<128xf32, #tpu.memory_space<vmem>>
        tpu.wait_dma2 semaphore(%run_scoped3A : memref<!tpu.dma_semaphore, #tpu.memory_space<semaphore_mem>>) src(%dma_wait3A_101 : memref<128xf32, #tpu.memory_space<vmem>>) dst(%arg35 : memref<128xf32, #tpu.memory_space<vmem_shared>>)
        tpu.yield
      }) : () -> ()
    } else {
    }
    %dma_wait3A = tpu.memref_slice %arg2[%mul3A_0] : memref<10240xf32, #tpu.memory_space<hbm>> -> memref<640xf32, #tpu.memory_space<hbm>>
    %dma_wait3A_30 = tpu.memref_slice %arg2[%mul3A_0] : memref<10240xf32, #tpu.memory_space<hbm>> -> memref<640xf32, #tpu.memory_space<hbm>>
    tpu.wait_dma2 semaphore(%arg27 : memref<!tpu.dma_semaphore, #tpu.memory_space<semaphore_mem>>) src(%dma_wait3A_30 : memref<640xf32, #tpu.memory_space<hbm>>) dst(%arg15 : memref<640xf32, #tpu.memory_space<vmem>>)
    "tpu.region"() ({
      %run_scoped3A = tpu.sem_alloc : memref<!tpu.dma_semaphore, #tpu.memory_space<semaphore_mem>>
      %dma_start3A_94 = tpu.memref_slice %arg30[%mul3A_0] : memref<10240xf32, #tpu.memory_space<vmem_shared>> -> memref<640xf32, #tpu.memory_space<vmem_shared>>
      %dma_start3A_95 = tpu.memref_slice %arg30[%mul3A_0] : memref<10240xf32, #tpu.memory_space<vmem_shared>> -> memref<640xf32, #tpu.memory_space<vmem_shared>>
      tpu.enqueue_dma source(%arg15 : memref<640xf32, #tpu.memory_space<vmem>>) target(%dma_start3A_95 : memref<640xf32, #tpu.memory_space<vmem_shared>>) target_semaphore(%run_scoped3A : memref<!tpu.dma_semaphore, #tpu.memory_space<semaphore_mem>>)
      %dma_wait3A_96 = tpu.memref_slice %arg30[%mul3A_0] : memref<10240xf32, #tpu.memory_space<vmem_shared>> -> memref<640xf32, #tpu.memory_space<vmem_shared>>
      %dma_wait3A_97 = tpu.memref_slice %arg30[%mul3A_0] : memref<10240xf32, #tpu.memory_space<vmem_shared>> -> memref<640xf32, #tpu.memory_space<vmem_shared>>
      tpu.wait_dma2 semaphore(%run_scoped3A : memref<!tpu.dma_semaphore, #tpu.memory_space<semaphore_mem>>) src(%arg15 : memref<640xf32, #tpu.memory_space<vmem>>) dst(%dma_wait3A_97 : memref<640xf32, #tpu.memory_space<vmem_shared>>)
      tpu.yield
    }) : () -> ()
    %dma_wait3A_31 = tpu.memref_slice %arg3[%mul3A_0] : memref<10240xf32, #tpu.memory_space<hbm>> -> memref<640xf32, #tpu.memory_space<hbm>>
    %dma_wait3A_32 = tpu.memref_slice %arg3[%mul3A_0] : memref<10240xf32, #tpu.memory_space<hbm>> -> memref<640xf32, #tpu.memory_space<hbm>>
    tpu.wait_dma2 semaphore(%arg28 : memref<!tpu.dma_semaphore, #tpu.memory_space<semaphore_mem>>) src(%dma_wait3A_32 : memref<640xf32, #tpu.memory_space<hbm>>) dst(%arg16 : memref<640xf32, #tpu.memory_space<vmem>>)
    "tpu.region"() ({
      %run_scoped3A = tpu.sem_alloc : memref<!tpu.dma_semaphore, #tpu.memory_space<semaphore_mem>>
      %dma_start3A_94 = tpu.memref_slice %arg31[%mul3A_0] : memref<10240xf32, #tpu.memory_space<vmem_shared>> -> memref<640xf32, #tpu.memory_space<vmem_shared>>
      %dma_start3A_95 = tpu.memref_slice %arg31[%mul3A_0] : memref<10240xf32, #tpu.memory_space<vmem_shared>> -> memref<640xf32, #tpu.memory_space<vmem_shared>>
      tpu.enqueue_dma source(%arg16 : memref<640xf32, #tpu.memory_space<vmem>>) target(%dma_start3A_95 : memref<640xf32, #tpu.memory_space<vmem_shared>>) target_semaphore(%run_scoped3A : memref<!tpu.dma_semaphore, #tpu.memory_space<semaphore_mem>>)
      %dma_wait3A_96 = tpu.memref_slice %arg31[%mul3A_0] : memref<10240xf32, #tpu.memory_space<vmem_shared>> -> memref<640xf32, #tpu.memory_space<vmem_shared>>
      %dma_wait3A_97 = tpu.memref_slice %arg31[%mul3A_0] : memref<10240xf32, #tpu.memory_space<vmem_shared>> -> memref<640xf32, #tpu.memory_space<vmem_shared>>
      tpu.wait_dma2 semaphore(%run_scoped3A : memref<!tpu.dma_semaphore, #tpu.memory_space<semaphore_mem>>) src(%arg16 : memref<640xf32, #tpu.memory_space<vmem>>) dst(%dma_wait3A_97 : memref<640xf32, #tpu.memory_space<vmem_shared>>)
      tpu.yield
    }) : () -> ()
    %dma_wait3A_33 = tpu.memref_slice %arg4[%mul3A_2] : memref<640000xi32, #tpu.memory_space<hbm>> -> memref<20000xi32, #tpu.memory_space<hbm>>
    %dma_wait3A_34 = tpu.memref_slice %arg4[%mul3A_2] : memref<640000xi32, #tpu.memory_space<hbm>> -> memref<20000xi32, #tpu.memory_space<hbm>>
    tpu.wait_dma2 semaphore(%arg24 : memref<!tpu.dma_semaphore, #tpu.memory_space<semaphore_mem>>) src(%dma_wait3A_34 : memref<20000xi32, #tpu.memory_space<hbm>>) dst(%arg9 : memref<20000xi32, #tpu.memory_space<vmem>>)
    %dma_wait3A_35 = tpu.memref_slice %arg4[%add3A_4] : memref<640000xi32, #tpu.memory_space<hbm>> -> memref<20000xi32, #tpu.memory_space<hbm>>
    %dma_wait3A_36 = tpu.memref_slice %arg4[%add3A_4] : memref<640000xi32, #tpu.memory_space<hbm>> -> memref<20000xi32, #tpu.memory_space<hbm>>
    tpu.wait_dma2 semaphore(%arg25 : memref<!tpu.dma_semaphore, #tpu.memory_space<semaphore_mem>>) src(%dma_wait3A_36 : memref<20000xi32, #tpu.memory_space<hbm>>) dst(%arg10 : memref<20000xi32, #tpu.memory_space<vmem>>)
    %dma_wait3A_37 = tpu.memref_slice %arg5[%mul3A_2] : memref<320000xf32, #tpu.memory_space<hbm>> -> memref<20000xf32, #tpu.memory_space<hbm>>
    %dma_wait3A_38 = tpu.memref_slice %arg5[%mul3A_2] : memref<320000xf32, #tpu.memory_space<hbm>> -> memref<20000xf32, #tpu.memory_space<hbm>>
    tpu.wait_dma2 semaphore(%arg26 : memref<!tpu.dma_semaphore, #tpu.memory_space<semaphore_mem>>) src(%dma_wait3A_38 : memref<20000xf32, #tpu.memory_space<hbm>>) dst(%arg11 : memref<20000xf32, #tpu.memory_space<vmem>>)
    %dma_wait3A_39 = tpu.memref_slice %arg6[%mul3A_0] : memref<10240xi32, #tpu.memory_space<hbm>> -> memref<640xi32, #tpu.memory_space<hbm>>
    %dma_wait3A_40 = tpu.memref_slice %arg6[%mul3A_0] : memref<10240xi32, #tpu.memory_space<hbm>> -> memref<640xi32, #tpu.memory_space<hbm>>
    tpu.wait_dma2 semaphore(%arg29 : memref<!tpu.dma_semaphore, #tpu.memory_space<semaphore_mem>>) src(%dma_wait3A_40 : memref<640xi32, #tpu.memory_space<hbm>>) dst(%arg19 : memref<640xi32, #tpu.memory_space<vmem>>)
    %barrier3A = arith.constant 0 : index
    tpu.barrier barrier_id(%barrier3A)
    "tpu.region"() ({
      %run_scoped3A = tpu.sem_alloc : memref<!tpu.dma_semaphore, #tpu.memory_space<semaphore_mem>>
      %dma_start3A_94 = arith.constant 0 : i32
      %dma_start3A_95 = tpu.memref_slice %arg30[%dma_start3A_94] : memref<10240xf32, #tpu.memory_space<vmem_shared>> -> memref<10240xf32, #tpu.memory_space<vmem_shared>>
      tpu.enqueue_indirect_dma source(%dma_start3A_95 : memref<10240xf32, #tpu.memory_space<vmem_shared>>) target(%arg12 : memref<20000xf32, #tpu.memory_space<vmem>>) offsets(%arg9 : memref<20000xi32, #tpu.memory_space<vmem>>) semaphore(%run_scoped3A : memref<!tpu.dma_semaphore, #tpu.memory_space<semaphore_mem>>)
      %dma_wait3A_96 = arith.constant 0 : i32
      %dma_wait3A_97 = tpu.memref_slice %arg30[%dma_wait3A_96] : memref<10240xf32, #tpu.memory_space<vmem_shared>> -> memref<10240xf32, #tpu.memory_space<vmem_shared>>
      tpu.wait_indirect_dma semaphore(%run_scoped3A : memref<!tpu.dma_semaphore, #tpu.memory_space<semaphore_mem>>) src(%dma_wait3A_97 : memref<10240xf32, #tpu.memory_space<vmem_shared>>) dst(%arg12 : memref<20000xf32, #tpu.memory_space<vmem>>)
      tpu.yield
    }) : () -> ()
    %scan3A_41 = arith.constant 0 : i32
    %scan3A_42 = arith.constant 0 : i32
    %scan3A_43 = arith.constant 1250 : i32
    %scan3A_44 = arith.addi %scan3A_42, %scan3A_43 : i32
    %scan3A_45 = arith.constant 1 : i32
    %scan3A_46 = scf.for %scan3A_94 = %scan3A_42 to %scan3A_44 step %scan3A_45 iter_args(%scan3A_95 = %scan3A_41) -> (i32)  : i32 {
      %mul3A_96 = arith.constant 16 : i32
      %mul3A_97 = arith.muli %scan3A_94, %mul3A_96 : i32
      %get3A = arith.index_cast %mul3A_97 : i32 to index
      %get3A_98 = tpu.vector_load %arg12[%get3A] {strides = array<i32>} : memref<20000xf32, #tpu.memory_space<vmem>>, vector<16xf32>,
      %get3A_99 = vector.shape_cast %get3A_98 : vector<16xf32> to vector<16xf32>
      %get3A_100 = arith.index_cast %mul3A_97 : i32 to index
      %get3A_101 = tpu.vector_load %arg11[%get3A_100] {strides = array<i32>} : memref<20000xf32, #tpu.memory_space<vmem>>, vector<16xf32>,
      %get3A_102 = vector.shape_cast %get3A_101 : vector<16xf32> to vector<16xf32>
      %mul3A_103 = arith.mulf %get3A_99, %get3A_102 : vector<16xf32>
      %swap3A = arith.index_cast %mul3A_97 : i32 to index
      %swap3A_104 = tpu.vector_load %arg12[%swap3A] {strides = array<i32>} : memref<20000xf32, #tpu.memory_space<vmem>>, vector<16xf32>,
      %swap3A_105 = vector.shape_cast %swap3A_104 : vector<16xf32> to vector<16xf32>
      %swap3A_106 = vector.shape_cast %mul3A_103 : vector<16xf32> to vector<16xf32>
      tpu.vector_store %arg12[%swap3A], %swap3A_106 {strides = array<i32>} : memref<20000xf32, #tpu.memory_space<vmem>>, vector<16xf32>,
      %scan3A_107 = arith.constant 0 : i32
      scf.yield %scan3A_107 : i32
    }
    %scan3A_47 = arith.constant 1250 : i32
    %dma_start3A_48 = arith.constant 0 : i32
    %dma_start3A_49 = tpu.memref_slice %arg32[%dma_start3A_48] : memref<10240xf32, #tpu.memory_space<vmem_shared>> -> memref<10240xf32, #tpu.memory_space<vmem_shared>>
    tpu.enqueue_indirect_dma source(%arg12 : memref<20000xf32, #tpu.memory_space<vmem>>) target(%dma_start3A_49 : memref<10240xf32, #tpu.memory_space<vmem_shared>>) offsets(%arg10 : memref<20000xi32, #tpu.memory_space<vmem>>) semaphore(%arg27 : memref<!tpu.dma_semaphore, #tpu.memory_space<semaphore_mem>>) {add = true}
    %dma_start3A_50 = arith.constant 0 : i32
    %dma_start3A_51 = tpu.memref_slice %arg33[%dma_start3A_50] : memref<10240xf32, #tpu.memory_space<vmem_shared>> -> memref<10240xf32, #tpu.memory_space<vmem_shared>>
    tpu.enqueue_indirect_dma source(%arg13 : memref<20000xf32, #tpu.memory_space<vmem>>) target(%dma_start3A_51 : memref<10240xf32, #tpu.memory_space<vmem_shared>>) offsets(%arg10 : memref<20000xi32, #tpu.memory_space<vmem>>) semaphore(%arg28 : memref<!tpu.dma_semaphore, #tpu.memory_space<semaphore_mem>>) {add = true}
    %dma_wait3A_52 = arith.constant 0 : i32
    %dma_wait3A_53 = tpu.memref_slice %arg32[%dma_wait3A_52] : memref<10240xf32, #tpu.memory_space<vmem_shared>> -> memref<10240xf32, #tpu.memory_space<vmem_shared>>
    tpu.wait_indirect_dma semaphore(%arg27 : memref<!tpu.dma_semaphore, #tpu.memory_space<semaphore_mem>>) src(%arg12 : memref<20000xf32, #tpu.memory_space<vmem>>) dst(%dma_wait3A_53 : memref<10240xf32, #tpu.memory_space<vmem_shared>>)
    %dma_wait3A_54 = arith.constant 0 : i32
    %dma_wait3A_55 = tpu.memref_slice %arg33[%dma_wait3A_54] : memref<10240xf32, #tpu.memory_space<vmem_shared>> -> memref<10240xf32, #tpu.memory_space<vmem_shared>>
    tpu.wait_indirect_dma semaphore(%arg28 : memref<!tpu.dma_semaphore, #tpu.memory_space<semaphore_mem>>) src(%arg13 : memref<20000xf32, #tpu.memory_space<vmem>>) dst(%dma_wait3A_55 : memref<10240xf32, #tpu.memory_space<vmem_shared>>)
    %barrier3A_56 = arith.constant 0 : index
    tpu.barrier barrier_id(%barrier3A_56)
    %dma_start3A_57 = tpu.memref_slice %arg32[%mul3A_0] : memref<10240xf32, #tpu.memory_space<vmem_shared>> -> memref<640xf32, #tpu.memory_space<vmem_shared>>
    %dma_start3A_58 = tpu.memref_slice %arg32[%mul3A_0] : memref<10240xf32, #tpu.memory_space<vmem_shared>> -> memref<640xf32, #tpu.memory_space<vmem_shared>>
    tpu.enqueue_dma source(%dma_start3A_58 : memref<640xf32, #tpu.memory_space<vmem_shared>>) target(%arg15 : memref<640xf32, #tpu.memory_space<vmem>>) target_semaphore(%arg27 : memref<!tpu.dma_semaphore, #tpu.memory_space<semaphore_mem>>)
    %dma_start3A_59 = tpu.memref_slice %arg33[%mul3A_0] : memref<10240xf32, #tpu.memory_space<vmem_shared>> -> memref<640xf32, #tpu.memory_space<vmem_shared>>
    %dma_start3A_60 = tpu.memref_slice %arg33[%mul3A_0] : memref<10240xf32, #tpu.memory_space<vmem_shared>> -> memref<640xf32, #tpu.memory_space<vmem_shared>>
    tpu.enqueue_dma source(%dma_start3A_60 : memref<640xf32, #tpu.memory_space<vmem_shared>>) target(%arg16 : memref<640xf32, #tpu.memory_space<vmem>>) target_semaphore(%arg28 : memref<!tpu.dma_semaphore, #tpu.memory_space<semaphore_mem>>)
    %dma_start3A_61 = tpu.memref_slice %arg31[%mul3A_0] : memref<10240xf32, #tpu.memory_space<vmem_shared>> -> memref<640xf32, #tpu.memory_space<vmem_shared>>
    %dma_start3A_62 = tpu.memref_slice %arg31[%mul3A_0] : memref<10240xf32, #tpu.memory_space<vmem_shared>> -> memref<640xf32, #tpu.memory_space<vmem_shared>>
    tpu.enqueue_dma source(%dma_start3A_62 : memref<640xf32, #tpu.memory_space<vmem_shared>>) target(%arg17 : memref<640xf32, #tpu.memory_space<vmem>>) target_semaphore(%arg29 : memref<!tpu.dma_semaphore, #tpu.memory_space<semaphore_mem>>)
    %dma_wait3A_63 = tpu.memref_slice %arg32[%mul3A_0] : memref<10240xf32, #tpu.memory_space<vmem_shared>> -> memref<640xf32, #tpu.memory_space<vmem_shared>>
    %dma_wait3A_64 = tpu.memref_slice %arg32[%mul3A_0] : memref<10240xf32, #tpu.memory_space<vmem_shared>> -> memref<640xf32, #tpu.memory_space<vmem_shared>>
    tpu.wait_dma2 semaphore(%arg27 : memref<!tpu.dma_semaphore, #tpu.memory_space<semaphore_mem>>) src(%dma_wait3A_64 : memref<640xf32, #tpu.memory_space<vmem_shared>>) dst(%arg15 : memref<640xf32, #tpu.memory_space<vmem>>)
    %dma_wait3A_65 = tpu.memref_slice %arg33[%mul3A_0] : memref<10240xf32, #tpu.memory_space<vmem_shared>> -> memref<640xf32, #tpu.memory_space<vmem_shared>>
    %dma_wait3A_66 = tpu.memref_slice %arg33[%mul3A_0] : memref<10240xf32, #tpu.memory_space<vmem_shared>> -> memref<640xf32, #tpu.memory_space<vmem_shared>>
    tpu.wait_dma2 semaphore(%arg28 : memref<!tpu.dma_semaphore, #tpu.memory_space<semaphore_mem>>) src(%dma_wait3A_66 : memref<640xf32, #tpu.memory_space<vmem_shared>>) dst(%arg16 : memref<640xf32, #tpu.memory_space<vmem>>)
    %dma_wait3A_67 = tpu.memref_slice %arg31[%mul3A_0] : memref<10240xf32, #tpu.memory_space<vmem_shared>> -> memref<640xf32, #tpu.memory_space<vmem_shared>>
    %dma_wait3A_68 = tpu.memref_slice %arg31[%mul3A_0] : memref<10240xf32, #tpu.memory_space<vmem_shared>> -> memref<640xf32, #tpu.memory_space<vmem_shared>>
    tpu.wait_dma2 semaphore(%arg29 : memref<!tpu.dma_semaphore, #tpu.memory_space<semaphore_mem>>) src(%dma_wait3A_68 : memref<640xf32, #tpu.memory_space<vmem_shared>>) dst(%arg17 : memref<640xf32, #tpu.memory_space<vmem>>)
    %scan3A_69 = arith.constant 0 : i32
    %scan3A_70 = arith.constant 0 : i32
    %scan3A_71 = arith.constant 40 : i32
    %scan3A_72 = arith.addi %scan3A_70, %scan3A_71 : i32
    %scan3A_73 = arith.constant 1 : i32
    %scan3A_74 = scf.for %scan3A_94 = %scan3A_70 to %scan3A_72 step %scan3A_73 iter_args(%scan3A_95 = %scan3A_69) -> (i32)  : i32 {
      %mul3A_96 = arith.constant 16 : i32
      %mul3A_97 = arith.muli %scan3A_94, %mul3A_96 : i32
      %get3A = arith.index_cast %mul3A_97 : i32 to index
      %get3A_98 = tpu.vector_load %arg15[%get3A] {strides = array<i32>} : memref<640xf32, #tpu.memory_space<vmem>>, vector<16xf32>,
      %get3A_99 = vector.shape_cast %get3A_98 : vector<16xf32> to vector<16xf32>
      %get3A_100 = arith.index_cast %mul3A_97 : i32 to index
      %get3A_101 = tpu.vector_load %arg16[%get3A_100] {strides = array<i32>} : memref<640xf32, #tpu.memory_space<vmem>>, vector<16xf32>,
      %get3A_102 = vector.shape_cast %get3A_101 : vector<16xf32> to vector<16xf32>
      %max3A = arith.constant 1.000000e+00 : f32
      %max3A_103 = vector.broadcast %max3A : f32 to vector<16xf32>
      %max3A_104 = arith.maximumf %get3A_102, %max3A_103 : vector<16xf32>
      %div3A = arith.divf %get3A_99, %max3A_104 : vector<16xf32>
      %get3A_105 = arith.index_cast %mul3A_97 : i32 to index
      %get3A_106 = tpu.vector_load %arg17[%get3A_105] {strides = array<i32>} : memref<640xf32, #tpu.memory_space<vmem>>, vector<16xf32>,
      %get3A_107 = vector.shape_cast %get3A_106 : vector<16xf32> to vector<16xf32>
      %add3A_108 = arith.addf %div3A, %get3A_107 : vector<16xf32>
      %max3A_109 = arith.constant 0.000000e+00 : f32
      %max3A_110 = vector.broadcast %max3A_109 : f32 to vector<16xf32>
      %max3A_111 = arith.maximumf %add3A_108, %max3A_110 : vector<16xf32>
      %swap3A = arith.index_cast %mul3A_97 : i32 to index
      %swap3A_112 = tpu.vector_load %arg18[%swap3A] {strides = array<i32>} : memref<640xf32, #tpu.memory_space<vmem>>, vector<16xf32>,
      %swap3A_113 = vector.shape_cast %swap3A_112 : vector<16xf32> to vector<16xf32>
      %swap3A_114 = vector.shape_cast %max3A_111 : vector<16xf32> to vector<16xf32>
      tpu.vector_store %arg18[%swap3A], %swap3A_114 {strides = array<i32>} : memref<640xf32, #tpu.memory_space<vmem>>, vector<16xf32>,
      %scan3A_115 = arith.constant 0 : i32
      scf.yield %scan3A_115 : i32
    }
    %scan3A_75 = arith.constant 40 : i32
    %dma_start3A_76 = arith.constant 0 : i32
    %dma_start3A_77 = tpu.memref_slice %arg34[%dma_start3A_76] : memref<128xf32, #tpu.memory_space<vmem_shared>> -> memref<128xf32, #tpu.memory_space<vmem_shared>>
    tpu.enqueue_indirect_dma source(%arg18 : memref<640xf32, #tpu.memory_space<vmem>>) target(%dma_start3A_77 : memref<128xf32, #tpu.memory_space<vmem_shared>>) offsets(%arg19 : memref<640xi32, #tpu.memory_space<vmem>>) semaphore(%arg27 : memref<!tpu.dma_semaphore, #tpu.memory_space<semaphore_mem>>) {add = true}
    %dma_start3A_78 = arith.constant 0 : i32
    %dma_start3A_79 = tpu.memref_slice %arg13[%dma_start3A_78] : memref<20000xf32, #tpu.memory_space<vmem>> -> memref<640xf32, #tpu.memory_space<vmem>>
    %dma_start3A_80 = arith.constant 0 : i32
    %dma_start3A_81 = tpu.memref_slice %arg35[%dma_start3A_80] : memref<128xf32, #tpu.memory_space<vmem_shared>> -> memref<128xf32, #tpu.memory_space<vmem_shared>>
    tpu.enqueue_indirect_dma source(%dma_start3A_79 : memref<640xf32, #tpu.memory_space<vmem>>) target(%dma_start3A_81 : memref<128xf32, #tpu.memory_space<vmem_shared>>) offsets(%arg19 : memref<640xi32, #tpu.memory_space<vmem>>) semaphore(%arg28 : memref<!tpu.dma_semaphore, #tpu.memory_space<semaphore_mem>>) {add = true}
    %dma_wait3A_82 = arith.constant 0 : i32
    %dma_wait3A_83 = tpu.memref_slice %arg34[%dma_wait3A_82] : memref<128xf32, #tpu.memory_space<vmem_shared>> -> memref<128xf32, #tpu.memory_space<vmem_shared>>
    tpu.wait_indirect_dma semaphore(%arg27 : memref<!tpu.dma_semaphore, #tpu.memory_space<semaphore_mem>>) src(%arg18 : memref<640xf32, #tpu.memory_space<vmem>>) dst(%dma_wait3A_83 : memref<128xf32, #tpu.memory_space<vmem_shared>>)
    %dma_wait3A_84 = arith.constant 0 : i32
    %dma_wait3A_85 = tpu.memref_slice %arg13[%dma_wait3A_84] : memref<20000xf32, #tpu.memory_space<vmem>> -> memref<640xf32, #tpu.memory_space<vmem>>
    %dma_wait3A_86 = arith.constant 0 : i32
    %dma_wait3A_87 = tpu.memref_slice %arg35[%dma_wait3A_86] : memref<128xf32, #tpu.memory_space<vmem_shared>> -> memref<128xf32, #tpu.memory_space<vmem_shared>>
    tpu.wait_indirect_dma semaphore(%arg28 : memref<!tpu.dma_semaphore, #tpu.memory_space<semaphore_mem>>) src(%dma_wait3A_85 : memref<640xf32, #tpu.memory_space<vmem>>) dst(%dma_wait3A_87 : memref<128xf32, #tpu.memory_space<vmem_shared>>)
    %barrier3A_88 = arith.constant 0 : index
    tpu.barrier barrier_id(%barrier3A_88)
    %eq3A_89 = arith.constant 0 : i32
    %eq3A_90 = arith.cmpi eq, %arg1, %eq3A_89 : i32
    %convert_element_type3A_91 = arith.extui %eq3A_90 : i1 to i32
    %cond3A_92 = arith.constant 0 : i32
    %cond3A_93 = arith.cmpi ne, %convert_element_type3A_91, %cond3A_92 : i32
    scf.if %cond3A_93 {
      "tpu.region"() ({
        %run_scoped3A = tpu.sem_alloc : memref<!tpu.dma_semaphore, #tpu.memory_space<semaphore_mem>>
        %dma_start3A_198 = arith.constant 0 : i32
        %dma_start3A_199 = tpu.memref_slice %arg34[%dma_start3A_198] : memref<128xf32, #tpu.memory_space<vmem_shared>> -> memref<64xf32, #tpu.memory_space<vmem_shared>>
        %dma_start3A_200 = arith.constant 0 : i32
        %dma_start3A_201 = tpu.memref_slice %arg34[%dma_start3A_200] : memref<128xf32, #tpu.memory_space<vmem_shared>> -> memref<64xf32, #tpu.memory_space<vmem_shared>>
        tpu.enqueue_dma source(%dma_start3A_201 : memref<64xf32, #tpu.memory_space<vmem_shared>>) target(%arg20 : memref<64xf32, #tpu.memory_space<vmem>>) target_semaphore(%run_scoped3A : memref<!tpu.dma_semaphore, #tpu.memory_space<semaphore_mem>>)
        %dma_wait3A_202 = arith.constant 0 : i32
        %dma_wait3A_203 = tpu.memref_slice %arg34[%dma_wait3A_202] : memref<128xf32, #tpu.memory_space<vmem_shared>> -> memref<64xf32, #tpu.memory_space<vmem_shared>>
        %dma_wait3A_204 = arith.constant 0 : i32
        %dma_wait3A_205 = tpu.memref_slice %arg34[%dma_wait3A_204] : memref<128xf32, #tpu.memory_space<vmem_shared>> -> memref<64xf32, #tpu.memory_space<vmem_shared>>
        tpu.wait_dma2 semaphore(%run_scoped3A : memref<!tpu.dma_semaphore, #tpu.memory_space<semaphore_mem>>) src(%dma_wait3A_205 : memref<64xf32, #tpu.memory_space<vmem_shared>>) dst(%arg20 : memref<64xf32, #tpu.memory_space<vmem>>)
        tpu.yield
      }) : () -> ()
      "tpu.region"() ({
        %run_scoped3A = tpu.sem_alloc : memref<!tpu.dma_semaphore, #tpu.memory_space<semaphore_mem>>
        %dma_start3A_198 = arith.constant 0 : i32
        %dma_start3A_199 = tpu.memref_slice %arg35[%dma_start3A_198] : memref<128xf32, #tpu.memory_space<vmem_shared>> -> memref<64xf32, #tpu.memory_space<vmem_shared>>
        %dma_start3A_200 = arith.constant 0 : i32
        %dma_start3A_201 = tpu.memref_slice %arg35[%dma_start3A_200] : memref<128xf32, #tpu.memory_space<vmem_shared>> -> memref<64xf32, #tpu.memory_space<vmem_shared>>
        tpu.enqueue_dma source(%dma_start3A_201 : memref<64xf32, #tpu.memory_space<vmem_shared>>) target(%arg21 : memref<64xf32, #tpu.memory_space<vmem>>) target_semaphore(%run_scoped3A : memref<!tpu.dma_semaphore, #tpu.memory_space<semaphore_mem>>)
        %dma_wait3A_202 = arith.constant 0 : i32
        %dma_wait3A_203 = tpu.memref_slice %arg35[%dma_wait3A_202] : memref<128xf32, #tpu.memory_space<vmem_shared>> -> memref<64xf32, #tpu.memory_space<vmem_shared>>
        %dma_wait3A_204 = arith.constant 0 : i32
        %dma_wait3A_205 = tpu.memref_slice %arg35[%dma_wait3A_204] : memref<128xf32, #tpu.memory_space<vmem_shared>> -> memref<64xf32, #tpu.memory_space<vmem_shared>>
        tpu.wait_dma2 semaphore(%run_scoped3A : memref<!tpu.dma_semaphore, #tpu.memory_space<semaphore_mem>>) src(%dma_wait3A_205 : memref<64xf32, #tpu.memory_space<vmem_shared>>) dst(%arg21 : memref<64xf32, #tpu.memory_space<vmem>>)
        tpu.yield
      }) : () -> ()
      "tpu.region"() ({
        %run_scoped3A = tpu.sem_alloc : memref<!tpu.dma_semaphore, #tpu.memory_space<semaphore_mem>>
        %dma_start3A_198 = arith.constant 0 : i32
        %dma_start3A_199 = tpu.memref_slice %arg7[%dma_start3A_198] : memref<128xf32, #tpu.memory_space<hbm>> -> memref<32xf32, #tpu.memory_space<hbm>>
        %dma_start3A_200 = arith.constant 0 : i32
        %dma_start3A_201 = tpu.memref_slice %arg7[%dma_start3A_200] : memref<128xf32, #tpu.memory_space<hbm>> -> memref<32xf32, #tpu.memory_space<hbm>>
        tpu.enqueue_dma source(%dma_start3A_201 : memref<32xf32, #tpu.memory_space<hbm>>) target(%arg23 : memref<32xf32, #tpu.memory_space<vmem>>) target_semaphore(%run_scoped3A : memref<!tpu.dma_semaphore, #tpu.memory_space<semaphore_mem>>)
        %dma_wait3A_202 = arith.constant 0 : i32
        %dma_wait3A_203 = tpu.memref_slice %arg7[%dma_wait3A_202] : memref<128xf32, #tpu.memory_space<hbm>> -> memref<32xf32, #tpu.memory_space<hbm>>
        %dma_wait3A_204 = arith.constant 0 : i32
        %dma_wait3A_205 = tpu.memref_slice %arg7[%dma_wait3A_204] : memref<128xf32, #tpu.memory_space<hbm>> -> memref<32xf32, #tpu.memory_space<hbm>>
        tpu.wait_dma2 semaphore(%run_scoped3A : memref<!tpu.dma_semaphore, #tpu.memory_space<semaphore_mem>>) src(%dma_wait3A_205 : memref<32xf32, #tpu.memory_space<hbm>>) dst(%arg23 : memref<32xf32, #tpu.memory_space<vmem>>)
        tpu.yield
      }) : () -> ()
      %get3A = arith.constant 0 : index
      %get3A_94 = tpu.vector_load %arg23[%get3A] {strides = array<i32>} : memref<32xf32, #tpu.memory_space<vmem>>, vector<16xf32>,
      %get3A_95 = vector.shape_cast %get3A_94 : vector<16xf32> to vector<16xf32>
      %get3A_96 = arith.constant 16 : index
      %get3A_97 = tpu.vector_load %arg23[%get3A_96] {strides = array<i32>} : memref<32xf32, #tpu.memory_space<vmem>>, vector<16xf32>,
      %get3A_98 = vector.shape_cast %get3A_97 : vector<16xf32> to vector<16xf32>
      %get3A_99 = arith.constant 0 : index
      %get3A_100 = tpu.vector_load %arg20[%get3A_99] {strides = array<i32>} : memref<64xf32, #tpu.memory_space<vmem>>, vector<16xf32>,
      %get3A_101 = vector.shape_cast %get3A_100 : vector<16xf32> to vector<16xf32>
      %get3A_102 = arith.constant 0 : index
      %get3A_103 = tpu.vector_load %arg21[%get3A_102] {strides = array<i32>} : memref<64xf32, #tpu.memory_space<vmem>>, vector<16xf32>,
      %get3A_104 = vector.shape_cast %get3A_103 : vector<16xf32> to vector<16xf32>
      %max3A = arith.constant 1.000000e+00 : f32
      %max3A_105 = vector.broadcast %max3A : f32 to vector<16xf32>
      %max3A_106 = arith.maximumf %get3A_104, %max3A_105 : vector<16xf32>
      %div3A = arith.divf %get3A_101, %max3A_106 : vector<16xf32>
      %mul3A_107 = arith.mulf %div3A, %get3A_95 : vector<16xf32>
      %add3A_108 = arith.addf %mul3A_107, %get3A_98 : vector<16xf32>
      %neg3A = arith.constant 0.000000e+00 : f32
      %neg3A_109 = vector.broadcast %neg3A : f32 to vector<16xf32>
      %neg3A_110 = arith.subf %neg3A_109, %add3A_108 : vector<16xf32>
      %exp3A = math.exp %neg3A_110 : vector<16xf32>
      %add3A_111 = arith.constant 1.000000e+00 : f32
      %add3A_112 = vector.broadcast %add3A_111 : f32 to vector<16xf32>
      %add3A_113 = arith.addf %add3A_112, %exp3A : vector<16xf32>
      %div3A_114 = arith.constant 1.000000e+00 : f32
      %div3A_115 = vector.broadcast %div3A_114 : f32 to vector<16xf32>
      %div3A_116 = arith.divf %div3A_115, %add3A_113 : vector<16xf32>
      %swap3A = arith.constant 0 : index
      %swap3A_117 = tpu.vector_load %arg22[%swap3A] {strides = array<i32>} : memref<64xf32, #tpu.memory_space<vmem>>, vector<16xf32>,
      %swap3A_118 = vector.shape_cast %swap3A_117 : vector<16xf32> to vector<16xf32>
      %swap3A_119 = vector.shape_cast %div3A_116 : vector<16xf32> to vector<16xf32>
      tpu.vector_store %arg22[%swap3A], %swap3A_119 {strides = array<i32>} : memref<64xf32, #tpu.memory_space<vmem>>, vector<16xf32>,
      %get3A_120 = arith.constant 16 : index
      %get3A_121 = tpu.vector_load %arg20[%get3A_120] {strides = array<i32>} : memref<64xf32, #tpu.memory_space<vmem>>, vector<16xf32>,
      %get3A_122 = vector.shape_cast %get3A_121 : vector<16xf32> to vector<16xf32>
      %get3A_123 = arith.constant 16 : index
      %get3A_124 = tpu.vector_load %arg21[%get3A_123] {strides = array<i32>} : memref<64xf32, #tpu.memory_space<vmem>>, vector<16xf32>,
      %get3A_125 = vector.shape_cast %get3A_124 : vector<16xf32> to vector<16xf32>
      %max3A_126 = arith.constant 1.000000e+00 : f32
      %max3A_127 = vector.broadcast %max3A_126 : f32 to vector<16xf32>
      %max3A_128 = arith.maximumf %get3A_125, %max3A_127 : vector<16xf32>
      %div3A_129 = arith.divf %get3A_122, %max3A_128 : vector<16xf32>
      %mul3A_130 = arith.mulf %div3A_129, %get3A_95 : vector<16xf32>
      %add3A_131 = arith.addf %mul3A_130, %get3A_98 : vector<16xf32>
      %neg3A_132 = arith.constant 0.000000e+00 : f32
      %neg3A_133 = vector.broadcast %neg3A_132 : f32 to vector<16xf32>
      %neg3A_134 = arith.subf %neg3A_133, %add3A_131 : vector<16xf32>
      %exp3A_135 = math.exp %neg3A_134 : vector<16xf32>
      %add3A_136 = arith.constant 1.000000e+00 : f32
      %add3A_137 = vector.broadcast %add3A_136 : f32 to vector<16xf32>
      %add3A_138 = arith.addf %add3A_137, %exp3A_135 : vector<16xf32>
      %div3A_139 = arith.constant 1.000000e+00 : f32
      %div3A_140 = vector.broadcast %div3A_139 : f32 to vector<16xf32>
      %div3A_141 = arith.divf %div3A_140, %add3A_138 : vector<16xf32>
      %swap3A_142 = arith.constant 16 : index
      %swap3A_143 = tpu.vector_load %arg22[%swap3A_142] {strides = array<i32>} : memref<64xf32, #tpu.memory_space<vmem>>, vector<16xf32>,
      %swap3A_144 = vector.shape_cast %swap3A_143 : vector<16xf32> to vector<16xf32>
      %swap3A_145 = vector.shape_cast %div3A_141 : vector<16xf32> to vector<16xf32>
      tpu.vector_store %arg22[%swap3A_142], %swap3A_145 {strides = array<i32>} : memref<64xf32, #tpu.memory_space<vmem>>, vector<16xf32>,
      %get3A_146 = arith.constant 32 : index
      %get3A_147 = tpu.vector_load %arg20[%get3A_146] {strides = array<i32>} : memref<64xf32, #tpu.memory_space<vmem>>, vector<16xf32>,
      %get3A_148 = vector.shape_cast %get3A_147 : vector<16xf32> to vector<16xf32>
      %get3A_149 = arith.constant 32 : index
      %get3A_150 = tpu.vector_load %arg21[%get3A_149] {strides = array<i32>} : memref<64xf32, #tpu.memory_space<vmem>>, vector<16xf32>,
      %get3A_151 = vector.shape_cast %get3A_150 : vector<16xf32> to vector<16xf32>
      %max3A_152 = arith.constant 1.000000e+00 : f32
      %max3A_153 = vector.broadcast %max3A_152 : f32 to vector<16xf32>
      %max3A_154 = arith.maximumf %get3A_151, %max3A_153 : vector<16xf32>
      %div3A_155 = arith.divf %get3A_148, %max3A_154 : vector<16xf32>
      %mul3A_156 = arith.mulf %div3A_155, %get3A_95 : vector<16xf32>
      %add3A_157 = arith.addf %mul3A_156, %get3A_98 : vector<16xf32>
      %neg3A_158 = arith.constant 0.000000e+00 : f32
      %neg3A_159 = vector.broadcast %neg3A_158 : f32 to vector<16xf32>
      %neg3A_160 = arith.subf %neg3A_159, %add3A_157 : vector<16xf32>
      %exp3A_161 = math.exp %neg3A_160 : vector<16xf32>
      %add3A_162 = arith.constant 1.000000e+00 : f32
      %add3A_163 = vector.broadcast %add3A_162 : f32 to vector<16xf32>
      %add3A_164 = arith.addf %add3A_163, %exp3A_161 : vector<16xf32>
      %div3A_165 = arith.constant 1.000000e+00 : f32
      %div3A_166 = vector.broadcast %div3A_165 : f32 to vector<16xf32>
      %div3A_167 = arith.divf %div3A_166, %add3A_164 : vector<16xf32>
      %swap3A_168 = arith.constant 32 : index
      %swap3A_169 = tpu.vector_load %arg22[%swap3A_168] {strides = array<i32>} : memref<64xf32, #tpu.memory_space<vmem>>, vector<16xf32>,
      %swap3A_170 = vector.shape_cast %swap3A_169 : vector<16xf32> to vector<16xf32>
      %swap3A_171 = vector.shape_cast %div3A_167 : vector<16xf32> to vector<16xf32>
      tpu.vector_store %arg22[%swap3A_168], %swap3A_171 {strides = array<i32>} : memref<64xf32, #tpu.memory_space<vmem>>, vector<16xf32>,
      %get3A_172 = arith.constant 48 : index
      %get3A_173 = tpu.vector_load %arg20[%get3A_172] {strides = array<i32>} : memref<64xf32, #tpu.memory_space<vmem>>, vector<16xf32>,
      %get3A_174 = vector.shape_cast %get3A_173 : vector<16xf32> to vector<16xf32>
      %get3A_175 = arith.constant 48 : index
      %get3A_176 = tpu.vector_load %arg21[%get3A_175] {strides = array<i32>} : memref<64xf32, #tpu.memory_space<vmem>>, vector<16xf32>,
      %get3A_177 = vector.shape_cast %get3A_176 : vector<16xf32> to vector<16xf32>
      %max3A_178 = arith.constant 1.000000e+00 : f32
      %max3A_179 = vector.broadcast %max3A_178 : f32 to vector<16xf32>
      %max3A_180 = arith.maximumf %get3A_177, %max3A_179 : vector<16xf32>
      %div3A_181 = arith.divf %get3A_174, %max3A_180 : vector<16xf32>
      %mul3A_182 = arith.mulf %div3A_181, %get3A_95 : vector<16xf32>
      %add3A_183 = arith.addf %mul3A_182, %get3A_98 : vector<16xf32>
      %neg3A_184 = arith.constant 0.000000e+00 : f32
      %neg3A_185 = vector.broadcast %neg3A_184 : f32 to vector<16xf32>
      %neg3A_186 = arith.subf %neg3A_185, %add3A_183 : vector<16xf32>
      %exp3A_187 = math.exp %neg3A_186 : vector<16xf32>
      %add3A_188 = arith.constant 1.000000e+00 : f32
      %add3A_189 = vector.broadcast %add3A_188 : f32 to vector<16xf32>
      %add3A_190 = arith.addf %add3A_189, %exp3A_187 : vector<16xf32>
      %div3A_191 = arith.constant 1.000000e+00 : f32
      %div3A_192 = vector.broadcast %div3A_191 : f32 to vector<16xf32>
      %div3A_193 = arith.divf %div3A_192, %add3A_190 : vector<16xf32>
      %swap3A_194 = arith.constant 48 : index
      %swap3A_195 = tpu.vector_load %arg22[%swap3A_194] {strides = array<i32>} : memref<64xf32, #tpu.memory_space<vmem>>, vector<16xf32>,
      %swap3A_196 = vector.shape_cast %swap3A_195 : vector<16xf32> to vector<16xf32>
      %swap3A_197 = vector.shape_cast %div3A_193 : vector<16xf32> to vector<16xf32>
      tpu.vector_store %arg22[%swap3A_194], %swap3A_197 {strides = array<i32>} : memref<64xf32, #tpu.memory_space<vmem>>, vector<16xf32>,
      "tpu.region"() ({
        %run_scoped3A = tpu.sem_alloc : memref<!tpu.dma_semaphore, #tpu.memory_space<semaphore_mem>>
        tpu.enqueue_dma source(%arg22 : memref<64xf32, #tpu.memory_space<vmem>>) target(%arg8 : memref<64xf32, #tpu.memory_space<hbm>>) target_semaphore(%run_scoped3A : memref<!tpu.dma_semaphore, #tpu.memory_space<semaphore_mem>>)
        tpu.wait_dma2 semaphore(%run_scoped3A : memref<!tpu.dma_semaphore, #tpu.memory_space<semaphore_mem>>) src(%arg22 : memref<64xf32, #tpu.memory_space<vmem>>) dst(%arg8 : memref<64xf32, #tpu.memory_space<hbm>>)
        tpu.yield
      }) : () -> ()
    } else {
    }
    return
  }
}

module attributes {stable_mosaic.version = 14 : i64} {
  func.func @_proj_body(%arg0: memref<10000x128xf32, #tpu.memory_space<vmem>>, %arg1: memref<1x128xf32, #tpu.memory_space<vmem>>, %arg2: memref<1x128xf32, #tpu.memory_space<vmem>>, %arg3: memref<1x1xf32, #tpu.memory_space<vmem>>, %arg4: memref<10000xi32, #tpu.memory_space<vmem>>, %arg5: memref<1x1xf32, #tpu.memory_space<vmem>>, %arg6: memref<1xf32, #tpu.memory_space<vmem>>, %arg7: memref<1x10240xf32, #tpu.memory_space<vmem>>, %arg8: memref<1x10240xf32, #tpu.memory_space<vmem>>, %arg9: memref<1x10240xi32, #tpu.memory_space<vmem>>, %arg10: memref<1x128xf32, #tpu.memory_space<vmem>>) attributes {dimension_semantics = [], scalar_prefetch = 0 : i64, scratch_operands = 0 : i64, tpu.core_type = #tpu.core_type<tc>} {
    %get3A = arith.constant 0 : index
    %get3A_0 = arith.constant 0 : index
    %get3A_1 = vector.load %arg0[%get3A, %get3A_0] : memref<10000x128xf32, #tpu.memory_space<vmem>>, vector<10000x128xf32>
    %get3A_2 = arith.constant 0 : index
    %get3A_3 = arith.constant 0 : index
    %get3A_4 = vector.load %arg1[%get3A_2, %get3A_3] : memref<1x128xf32, #tpu.memory_space<vmem>>, vector<1x128xf32>
    %dot_general3A = arith.constant dense<0.000000e+00> : vector<1x10000xf32>
    %dot_general3A_5 = tpu.matmul %get3A_4, %get3A_1, %dot_general3A {dimension_numbers = #tpu.dot_dimension_numbers<[1], [1], [0], [0], [0, 0, 1, 0], [], []>, transpose_lhs_hint = false} : vector<1x128xf32>, vector<10000x128xf32>, vector<1x10000xf32> -> vector<1x10000xf32>
    %get3A_6 = arith.constant 0 : index
    %get3A_7 = arith.constant 0 : index
    %get3A_8 = vector.load %arg2[%get3A_6, %get3A_7] : memref<1x128xf32, #tpu.memory_space<vmem>>, vector<1x128xf32>
    %dot_general3A_9 = arith.constant dense<0.000000e+00> : vector<1x10000xf32>
    %dot_general3A_10 = tpu.matmul %get3A_8, %get3A_1, %dot_general3A_9 {dimension_numbers = #tpu.dot_dimension_numbers<[1], [1], [0], [0], [0, 0, 1, 0], [], []>, transpose_lhs_hint = false} : vector<1x128xf32>, vector<10000x128xf32>, vector<1x10000xf32> -> vector<1x10000xf32>
    %get3A_11 = arith.constant 0 : index
    %get3A_12 = arith.constant 0 : index
    %get3A_13 = vector.load %arg3[%get3A_11, %get3A_12] : memref<1x1xf32, #tpu.memory_space<vmem>>, vector<1x1xf32>
    %add3A = vector.broadcast %get3A_13 : vector<1x1xf32> to vector<1x10000xf32>
    %add3A_14 = arith.addf %dot_general3A_10, %add3A : vector<1x10000xf32>
    %swap3A = arith.constant 0 : index
    %swap3A_15 = arith.constant 0 : index
    %swap3A_16 = vector.load %arg7[%swap3A, %swap3A_15] : memref<1x10240xf32, #tpu.memory_space<vmem>>, vector<1x10000xf32>
    tpu.vector_store %arg7[%swap3A, %swap3A_15], %dot_general3A_5 {strides = array<i32>} : memref<1x10240xf32, #tpu.memory_space<vmem>>, vector<1x10000xf32>,
    %swap3A_17 = arith.constant 0 : index
    %swap3A_18 = arith.constant 0 : index
    %swap3A_19 = vector.load %arg8[%swap3A_17, %swap3A_18] : memref<1x10240xf32, #tpu.memory_space<vmem>>, vector<1x10000xf32>
    tpu.vector_store %arg8[%swap3A_17, %swap3A_18], %add3A_14 {strides = array<i32>} : memref<1x10240xf32, #tpu.memory_space<vmem>>, vector<1x10000xf32>,
    %broadcast_in_dim3A = arith.constant 0.000000e+00 : f32
    %broadcast_in_dim3A_20 = vector.broadcast %broadcast_in_dim3A : f32 to vector<1x240xf32>
    %swap3A_21 = arith.constant 0 : index
    %swap3A_22 = arith.constant 10000 : index
    %swap3A_23 = vector.load %arg7[%swap3A_21, %swap3A_22] : memref<1x10240xf32, #tpu.memory_space<vmem>>, vector<1x240xf32>
    tpu.vector_store %arg7[%swap3A_21, %swap3A_22], %broadcast_in_dim3A_20 {strides = array<i32>} : memref<1x10240xf32, #tpu.memory_space<vmem>>, vector<1x240xf32>,
    %swap3A_24 = arith.constant 0 : index
    %swap3A_25 = arith.constant 10000 : index
    %swap3A_26 = vector.load %arg8[%swap3A_24, %swap3A_25] : memref<1x10240xf32, #tpu.memory_space<vmem>>, vector<1x240xf32>
    tpu.vector_store %arg8[%swap3A_24, %swap3A_25], %broadcast_in_dim3A_20 {strides = array<i32>} : memref<1x10240xf32, #tpu.memory_space<vmem>>, vector<1x240xf32>,
    %get3A_27 = arith.constant 0 : index
    %get3A_28 = vector.load %arg4[%get3A_27] : memref<10000xi32, #tpu.memory_space<vmem>>, vector<10000xi32>
    %reshape3A = vector.shape_cast %get3A_28 : vector<10000xi32> to vector<1x10000xi32>
    %swap3A_29 = arith.constant 0 : index
    %swap3A_30 = arith.constant 0 : index
    %swap3A_31 = vector.load %arg9[%swap3A_29, %swap3A_30] : memref<1x10240xi32, #tpu.memory_space<vmem>>, vector<1x10000xi32>
    tpu.vector_store %arg9[%swap3A_29, %swap3A_30], %reshape3A {strides = array<i32>} : memref<1x10240xi32, #tpu.memory_space<vmem>>, vector<1x10000xi32>,
    %broadcast_in_dim3A_32 = arith.constant 64 : i32
    %broadcast_in_dim3A_33 = vector.broadcast %broadcast_in_dim3A_32 : i32 to vector<1x240xi32>
    %swap3A_34 = arith.constant 0 : index
    %swap3A_35 = arith.constant 10000 : index
    %swap3A_36 = vector.load %arg9[%swap3A_34, %swap3A_35] : memref<1x10240xi32, #tpu.memory_space<vmem>>, vector<1x240xi32>
    tpu.vector_store %arg9[%swap3A_34, %swap3A_35], %broadcast_in_dim3A_33 {strides = array<i32>} : memref<1x10240xi32, #tpu.memory_space<vmem>>, vector<1x240xi32>,
    %get3A_37 = arith.constant 0 : index
    %get3A_38 = arith.constant 0 : index
    %get3A_39 = vector.load %arg5[%get3A_37, %get3A_38] : memref<1x1xf32, #tpu.memory_space<vmem>>, vector<1x1xf32>
    %broadcast_in_dim3A_40 = vector.shape_cast %get3A_39 : vector<1x1xf32> to vector<1x1xf32>
    %broadcast_in_dim3A_41 = vector.broadcast %broadcast_in_dim3A_40 : vector<1x1xf32> to vector<1x16xf32>
    %get3A_42 = arith.constant 0 : index
    %get3A_43 = vector.load %arg6[%get3A_42] : memref<1xf32, #tpu.memory_space<vmem>>, vector<1xf32>
    %reshape3A_44 = vector.shape_cast %get3A_43 : vector<1xf32> to vector<1x1xf32>
    %broadcast_in_dim3A_45 = vector.shape_cast %reshape3A_44 : vector<1x1xf32> to vector<1x1xf32>
    %broadcast_in_dim3A_46 = vector.broadcast %broadcast_in_dim3A_45 : vector<1x1xf32> to vector<1x16xf32>
    %broadcast_in_dim3A_47 = arith.constant 0.000000e+00 : f32
    %broadcast_in_dim3A_48 = vector.broadcast %broadcast_in_dim3A_47 : f32 to vector<1x96xf32>
    %concatenate3A = tpu.concatenate %broadcast_in_dim3A_41, %broadcast_in_dim3A_46, %broadcast_in_dim3A_48 in 1 : vector<1x16xf32>, vector<1x16xf32>, vector<1x96xf32> -> vector<1x128xf32>
    %swap3A_49 = arith.constant 0 : index
    %swap3A_50 = arith.constant 0 : index
    %swap3A_51 = vector.load %arg10[%swap3A_49, %swap3A_50] : memref<1x128xf32, #tpu.memory_space<vmem>>, vector<1x128xf32>
    tpu.vector_store %arg10[%swap3A_49, %swap3A_50], %concatenate3A {strides = array<i32>} : memref<1x128xf32, #tpu.memory_space<vmem>>, vector<1x128xf32>,
    return
  }
}

</mosaic_0001>

<sc_bundles>
// kernel: kernel.4.cloned.1.call-start
scs
__scs_entry_jumppad:
0x0: {  	(pc) =	sbr.rel $0x88, $3  }
0x1: {  	(tag) =	ssettag $0x0;
	lr =	simm.s32 $0x1  }
0x2: {  	[smem:$0x3F98] =	sst lr;
	_ =	strace $0xD0000000  }
0x3: {  	_ = 	snop  }
0x4: {  	_ = 	snop  }
0x5: {  	_ = 	snop  }
0x6: {  	_ = 	snop  }
0x7: {  	_ = 	snop  }
__scs_overlays_trampoline_lowered:
0x8: {  	[smem:$0x3FA7] =	sst s0  }
0x9: {  	[smem:$0x3FA8] =	sst s1  }
0xa: {  	[smem:$0x3FA9] =	sst s2  }
0xb: {  	[smem:$0x3FAA] =	sst s3  }
0xc: {  	[smem:$0x3FAB] =	sst s4  }
0xd: {  	[smem:$0x3FAC] =	sst s5  }
0xe: {  	[smem:$0x3FAD] =	sst s6  }
0xf: {  	[smem:$0x3FAE] =	sst s7  }
0x10: {  	[smem:$0x3FAF] =	sst s8  }
0x11: {  	[smem:$0x3FB0] =	sst s9;
	s0 =	simm.s32 @!p0 $0x0  }
0x12: {  	s1 =	sld [smem:$0x3F96];
	s0 =	simm.s32 @p0 $0x1  }
0x13: {  	[smem:$0x3FB1] =	sst s0;
	s0 =	simm.s32 @!p1 $0x0  }
0x14: {  	s2 =	sld [smem:$0x3F95];
	s0 =	simm.s32 @p1 $0x1  }
0x15: {  	[smem:$0x3FB2] =	sst s0;
	s0 =	simm.s32 @!p2 $0x0  }
0x16: {  	s3 =	sld [smem:$0x3FDB];
	s0 =	simm.s32 @p2 $0x1  }
0x17: {  	s4 =	simm.s32 $0x1BF5;
	[smem:$0x3FB4] =	sst s0  }
0x18: {  	s0 =	sld [smem:$0x3F97];
	_ =	swait.ge [sflag:s4], $0x0  }
0x19: {  	s7 =	sld [smem:$0x3F98]  }
0x1a: {  	s8 =	sadd.s32 $0xFFFFE003, lr  }
0x1b: {  	s9 =	sadd.s32 $0xFFFFFEF7, lr;
	s5 =	simm.s32 $0xFFFFFFFF;
	p2 =	slt.u32 s8, $0xFFFFF086  }
0x1c: {  	p1 =	slt.u32 s9, $0xF7A;
	s5 =	simm.s32 @!p2 $0x0  }
0x1d: {  	s5 =	simm.s32 @p1 $0x1;
	p0 =	seq.s32 s7, s2  }
0x1e: {  	s7 =	smul.u32 @!p0 $0xF7A, s2;
	p2 =	seq.s32 @!p0 s5, $0x0  }
0x1f: {  	s9 =	smul.u32 $0xF7A, s1;
	s8 =	simm.s32 @!p0 $0x1BF5;
	p2 =	por !p2, p0  }
0x20: {  	[sflag:s8] =	ssyncset.s32 @!p0 $0xFFFFF086;
	s6 =	sadd.s32 @!p0 s3, s7;
	s7 =	simm.s32 @!p0 $0x108  }
0x21: {  	s3 =	sadd.s32 s3, s9;
	s6 =	sadd.s32 @!p0 $0x88, s6;
	s7 =	simm.s32 @p2 $0x1082  }
0x22: {  	[simem:s7], [sflag:s8] =	dma.local @!p0 [hbm:s6], $0xF7A  }
0x23: {  	s9 =	sor.u32 $0xD0000000, s2;
	s6 =	simm.s32 $0x108;
	_ =	swait.ge @!p0 [sflag:s8], $0x0  }
0x24: {  	s3 =	sadd.s32 $0x88, s3;
	s6 =	simm.s32 @!p1 $0x1082;
	[sflag:s4] =	ssyncset.s32 $0xFFFFF086  }
0x25: {  	[simem:s6], [sflag:s4] =	dma.local [hbm:s3], $0xF7A  }
0x26: {  	[smem:$0x3F98] =	sst s1;
	(tag) =	ssettag s2;
	_ =	strace s9  }
0x27: {  	s1 =	sld [smem:$0x3FA8]  }
0x28: {  	s2 =	sld [smem:$0x3FA9]  }
0x29: {  	s4 =	sld [smem:$0x3FAB]  }
0x2a: {  	p0 =	seq.s32 s5, $0x0;
	s5 =	sld [smem:$0x3FAC]  }
0x2b: {  	s6 =	sld [smem:$0x3FAD]  }
0x2c: {  	s7 =	sld [smem:$0x3FAE]  }
0x2d: {  	s3 =	simm.s32 $0x108;
	s8 =	sld [smem:$0x3FAF]  }
0x2e: {  	s3 =	simm.s32 @!p0 $0x1082;
	s9 =	sld [smem:$0x3FB0]  }
0x2f: {  	lr =	sadd.s32 s0, s3;
	s0 =	sld [smem:$0x3FA7]  }
0x30: {  	s3 =	sld [smem:$0x3FAA]  }
0x31: {  	[smem:$0x3FB3] =	sst s10  }
0x32: {  	s10 =	sld [smem:$0x3FB1];
	_ =	sdelay $0x3  }
0x33: {  	p0 =	seq.s32 s10, $0x1;
	s10 =	sld [smem:$0x3FB3];
	_ =	sdelay $0x3  }
0x34: {  	[smem:$0x3FB3] =	sst s10  }
0x35: {  	s10 =	sld [smem:$0x3FB2];
	_ =	sdelay $0x3  }
0x36: {  	p1 =	seq.s32 s10, $0x1;
	s10 =	sld [smem:$0x3FB3];
	_ =	sdelay $0x3  }
0x37: {  	[smem:$0x3FB3] =	sst s10  }
0x38: {  	s10 =	sld [smem:$0x3FB4]  }
0x39: {  	_ = 	snop;
	(pc) =	sbr.ind lr, $3  }
0x3a: {  	_ = 	snop  }
0x3b: {  	_ = 	snop  }
0x3c: {  	p2 =	seq.s32 s10, $0x1;
	s10 =	sld [smem:$0x3FB3]  }
0x3d: {  	_ =	shalt  }
0x3e: {  	_ =	shalt  }
0x3f: {  	_ =	shalt  }
0x40: {  	_ =	shalt  }
0x41: {  	_ =	shalt  }
0x42: {  	_ =	shalt  }
0x43: {  	_ =	shalt  }
0x44: {  	_ =	shalt  }
0x45: {  	_ =	shalt  }
0x46: {  	_ =	shalt  }
0x47: {  	_ =	shalt  }
0x48: {  	_ =	shalt  }
0x49: {  	_ =	shalt  }
0x4a: {  	_ =	shalt  }
0x4b: {  	_ =	shalt  }
0x4c: {  	_ =	shalt  }
0x4d: {  	_ =	shalt  }
0x4e: {  	_ =	shalt  }
0x4f: {  	_ =	shalt  }
0x50: {  	_ =	shalt  }
0x51: {  	_ =	shalt  }
0x52: {  	_ =	shalt  }
0x53: {  	_ =	shalt  }
0x54: {  	_ =	shalt  }
0x55: {  	_ =	shalt  }
0x56: {  	_ =	shalt  }
0x57: {  	_ =	shalt  }
0x58: {  	_ =	shalt  }
0x59: {  	_ =	shalt  }
0x5a: {  	_ =	shalt  }
0x5b: {  	_ =	shalt  }
0x5c: {  	_ =	shalt  }
0x5d: {  	_ =	shalt  }
0x5e: {  	_ =	shalt  }
0x5f: {  	_ =	shalt  }
0x60: {  	_ =	shalt  }
0x61: {  	_ =	shalt  }
0x62: {  	_ =	shalt  }
0x63: {  	_ =	shalt  }
0x64: {  	_ =	shalt  }
0x65: {  	_ =	shalt  }
0x66: {  	_ =	shalt  }
0x67: {  	_ =	shalt  }
0x68: {  	_ =	shalt  }
0x69: {  	_ =	shalt  }
0x6a: {  	_ =	shalt  }
0x6b: {  	_ =	shalt  }
0x6c: {  	_ =	shalt  }
0x6d: {  	_ =	shalt  }
0x6e: {  	_ =	shalt  }
0x6f: {  	_ =	shalt  }
0x70: {  	_ =	shalt  }
0x71: {  	_ =	shalt  }
0x72: {  	_ =	shalt  }
0x73: {  	_ =	shalt  }
0x74: {  	_ =	shalt  }
0x75: {  	_ =	shalt  }
0x76: {  	_ =	shalt  }
0x77: {  	_ =	shalt  }
0x78: {  	_ =	shalt  }
0x79: {  	_ =	shalt  }
0x7a: {  	_ =	shalt  }
0x7b: {  	_ =	shalt  }
0x7c: {  	_ =	shalt  }
0x7d: {  	_ =	shalt  }
0x7e: {  	_ =	shalt  }
0x7f: {  	_ =	shalt  }
0x80: {  	_ =	shalt  }
0x81: {  	_ =	shalt  }
0x82: {  	_ =	shalt  }
0x83: {  	_ =	shalt  }
0x84: {  	_ =	shalt  }
0x85: {  	_ =	shalt  }
0x86: {  	_ =	shalt  }
0x87: {  	_ =	shalt  }
.Lfunc_end0:
.L_simem_size_0:
called_computation_lowered:
.L_overlay_start_0:
0x88: {  	s0 =	sld [smem:$0x3FD9]  }
0x89: {  	s1 =	sld [smem:$0x3FFE];
	_ =	sdelay $0x3  }
0x8a: {  	s0 =	sadd.s32 s1, s0  }
0x8b: {  	[smem:$0x3FBF] =	sst s0  }
0x8c: {  	_ = 	snop  }
0x8d: {  	s0 =	sld [smem:$0x3FC7]  }
0x8e: {  	s16 =	sld [smem:$0x3FD0];
	(tm) =	ssettm $0x1  }
0x8f: {  	s2 =	sld [smem:$0x3FFB];
	_ =	sdelay $0x3  }
0x90: {  	_ =	strace s2  }
0x91: {  	s2 =	sld [smem:$0x3FFC];
	_ =	sdelay $0x3  }
0x92: {  	_ =	strace s2  }
0x93: {  	s2 =	sld [smem:$0x3FFD];
	_ =	sdelay $0x3  }
0x94: {  	_ =	strace s2  }
0x95: {  	_ =	strace $0x8FFFFFFF  }
0x96: {  	s17 =	sld [smem:$0x3FDB];
	_ =	sdelay $0x1  }
0x97: {  	s3 =	simm.s32 $_scs_section_size  }
0x98: {  	s4 =	simm.s32 $_size__tile_overlayer_lowered;
	s5 =	simm.s32 $_tile_overlayer_lowered  }
0x99: {  	s20 =	simm.s32 $0x1BFF;
	s19 =	sshll.u32 s5, $0x1;
	s2 =	sadd.s32 s3, s17  }
0x9a: {  	s6 =	simm.s32 $0x0;
	s18 =	sshll.u32 s4, $0x1;
	s4 =	sadd.s32 s19, s2  }
0x9b: {  	[timem:s6], [sflag:s20] =	dma.local [hbm:s4], s18  }
0x9c: {  	_ =	swait.ge [sflag:s20], s18  }
0x9d: {  	s3 =	ssub.s32 $0x0, s18;
	[sflag:s20] =	ssyncset.done $0x0  }
0x9e: {  	[sflag:s20] =	ssyncadd.s32 s3;
	_ =	sdelay $0x1  }
0x9f: {  	s21 =	simm.s32 $0x1B8B  }
0xa0: {  	_ =	swait.ge [sflag:s21], $0x1  }
0xa1: {  	[sflag:s21] =	ssyncset.done $0x0  }
0xa2: {  	s23 =	simm.s32 $0x1B8E;
	s22 =	sld [smem:$0x3FFE];
	[sflag:s21] =	ssyncadd.s32 $0xFFFFFFFF  }
0xa3: {  	s24 =	simm.s32 $execute0_lowered;
	[smem:$0x3FD2] =	sst s23  }
0xa4: {  	s4 =	sshll.u32 s24, $0x1;
	_ =	strace $0x80000046;
	[dreg:$0x1] =	wrdreg $0xFFFFFFFF  }
0xa5: {  	s25 =	simm.s32 $_size_execute0_lowered;
	s2 =	sadd.s32 s2, s4;
	[dreg:$0x0] =	wrdreg $0x0  }
0xa6: {  	s4 =	sshll.u32 s25, $0x1;
	[dreg:$0x2] =	wrdreg s2  }
0xa7: {  	[dreg:$0x3] =	wrdreg s4  }
0xa8: {  	[dreg:$0x4] =	wrdreg $0xC0  }
0xa9: {  	_ =	task [dreg:s6], $0x5FFFF  }
0xaa: {  	[dreg:$0x1] =	wrdreg $0xFFFFFFFF  }
0xab: {  	[dreg:$0x0] =	wrdreg $0x60  }
0xac: {  	[dreg:$0x2] =	wrdreg s22  }
0xad: {  	[dreg:$0x3] =	wrdreg s0  }
0xae: {  	[dreg:$0x4] =	wrdreg s16  }
0xaf: {  	[dreg:$0x5] =	wrdreg $0x19E800  }
0xb0: {  	[dreg:$0x6] =	wrdreg $0x1A1000  }
0xb1: {  	[dreg:$0x7] =	wrdreg $0x1A3800  }
0xb2: {  	[dreg:$0x8] =	wrdreg $0x1A3880  }
0xb3: {  	[dreg:$0x9] =	wrdreg $0x199800  }
0xb4: {  	[dreg:$0xa] =	wrdreg $0x19C000  }
0xb5: {  	[dreg:$0xb] =	wrdreg $0x9  }
0xb6: {  	_ =	task.clear_ibuf [dreg:s6], $0xCFFFF;
	_ =	strace $0x90000046  }
0xb7: {  	s26 =	simm.s32 $0x9;
	_ =	strace $0x80000048  }
0xb8: {  	_ =	swait.ge [sflag:s26], $0x1  }
0xb9: {  	[sflag:s26] =	ssyncadd.s32 $0xFFFFFFFF  }
0xba: {  	_ =	strace $0x90000048  }
0xbb: {  	_ =	sfence  }
0xbc: {  	s28 =	sld [smem:$0x0];
	_ =	sdelay $0x1  }
0xbd: {  	s29 =	srdreg.scid  }
0xbe: {  	s30 =	sshll.u32 s29, $0xD;
	s31 =	sshrl.u32 s29, $0x2  }
0xbf: {  	s1 =	sand.u32 $0x1, s29;
	s2 =	sand.u32 $0x4000, s30;
	s0 =	sadd.s32 s31, s28  }
0xc0: {  	s1 =	sor.u32 s2, s1;
	s0 =	sshll.u32 s0, $0x11  }
0xc1: {  	s0 =	sor.u32 s0, s1  }
0xc2: {  	s0 =	sadd.s32 $0x8F2B, s0  }
0xc3: {  	[sflag:s0] =	ssyncadd.remote.s32 $0x1  }
0xc4: {  	_ =	sfence.sel $0xFFFF  }
0xc5: {  	[dreg:$0x0] =	wrdreg $0xFFFFFFFF;
	(pc) =	sbr.abs _section_cstart, $3  }
0xc6: {  	[dreg:$0x1] =	wrdreg $0xFFFFFFFF  }
0xc7: {  	_ =	task.clear_ibuf [dreg:s6], $0x2FFFF;
	_ =	strace $0x9FFFFFFF  }
0xc8: {  	(tm) =	ssettm $0x7FFFFFFF  }
0xc9: {  	_ =	shalt  }
tec
execute0_lowered:
.L_overlay_start_1:
0x0: {  	(tag) =	ssettag $0x1  }
0x1: {  	s4 =	rddreg [dreg:$0x0]  }
0x2: {  	s10 =	rddreg [dreg:$0x1]  }
0x3: {  	s0 =	rddreg [dreg:$0x2]  }
0x4: {  	s6 =	rddreg [dreg:$0x3]  }
0x5: {  	s5 =	rddreg [dreg:$0x4]  }
0x6: {  	s3 =	rddreg [dreg:$0x5]  }
0x7: {  	s2 =	rddreg [dreg:$0x6];
	s12 =	stileid.u32  }
0x8: {  	s7 =	rddreg [dreg:$0x7];
	s9 =	smul.u32 $0x4E20, s12  }
0x9: {  	s8 =	rddreg [dreg:$0x8]  }
0xa: {  	s1 =	rddreg [dreg:$0x9];
	s11 =	simm.s32 $0x0;
	s13 =	sshrl.u32 s9, $0x3  }
0xb: {  	[smem:$0x7FF] =	sst s11;
	s14 =	sadd.s32 s13, s4  }
0xc: {  	_ =	strace $0x80000047;
	s9 =	smul.u32 $0x280, s12;
	s15 =	sadd.s32 $0x1600, s14  }
0xd: {  	[tilespmem:s11], [sflag:$0x1] =	stream.linear.gather [hbm4b:s15+s11], $0x4E20, $0x38;
	[tilespmem:$0x1A390] =	vst v63  }
0xe: {  	s16 =	simm.s32 $0x4E80;
	s22 =	sshrl.u32 s9, $0x3;
	s14 =	sadd.s32 $0xB240, s14  }
0xf: {  	[tilespmem:s16], [sflag:$0x2] =	stream.linear.gather [hbm4b:s14+s11], $0x4E20, $0x38;
	[tilespmem:$0x1A390] =	vst v63  }
0x10: {  	s24 =	simm.s32 $0x9D00;
	s10 =	sadd.s32 s10, s13;
	s23 =	sadd.s32 s22, s4  }
0x11: {  	[tilespmem:s24], [sflag:$0x3] =	stream.linear.gather [hbm4b:s10+s11], $0x4E20, $0x38;
	[tilespmem:$0x1A390] =	vst v63  }
0x12: {  	s26 =	simm.s32 $0x18B00;
	s25 =	sadd.s32 $0x15000, s23  }
0x13: {  	[tilespmem:s26], [sflag:$0x4] =	stream.linear.gather [hbm4b:s25+s11], $0x280, $0x38;
	[tilespmem:$0x1A390] =	vst v63  }
0x14: {  	s29 =	simm.s32 $0x18D80;
	s28 =	sadd.s32 $0x15600, s23  }
0x15: {  	[tilespmem:s29], [sflag:$0x5] =	stream.linear.gather [hbm4b:s28+s11], $0x280, $0x38;
	[tilespmem:$0x1A390] =	vst v63  }
0x16: {  	s31 =	simm.s32 $0x19500;
	s30 =	sadd.s32 $0x15C00, s23  }
0x17: {  	v0 =	vimm.f32 $0.0e+00;
	[tilespmem:s31], [sflag:$0x6] =	stream.linear.gather [hbm4b:s30+s11], $0x280, $0x38;
	[tilespmem:$0x1A390] =	vst v63  }
0x18: {  	[tilespmem:$0x18880] =	vst v0  }
0x19: {  	[tilespmem:$0x18890] =	vst v0  }
0x1a: {  	[tilespmem:$0x188A0] =	vst v0  }
0x1b: {  	[tilespmem:$0x188B0] =	vst v0  }
0x1c: {  	[tilespmem:$0x188C0] =	vst v0  }
0x1d: {  	[tilespmem:$0x188D0] =	vst v0  }
0x1e: {  	[tilespmem:$0x188E0] =	vst v0  }
0x1f: {  	[tilespmem:$0x188F0] =	vst v0  }
0x20: {  	[tilespmem:$0x18900] =	vst v0  }
0x21: {  	[tilespmem:$0x18910] =	vst v0  }
0x22: {  	[tilespmem:$0x18920] =	vst v0  }
0x23: {  	[tilespmem:$0x18930] =	vst v0  }
0x24: {  	[tilespmem:$0x18940] =	vst v0  }
0x25: {  	[tilespmem:$0x18950] =	vst v0  }
0x26: {  	[tilespmem:$0x18960] =	vst v0  }
0x27: {  	[tilespmem:$0x18970] =	vst v0  }
0x28: {  	[tilespmem:$0x18980] =	vst v0  }
0x29: {  	[tilespmem:$0x18990] =	vst v0  }
0x2a: {  	[tilespmem:$0x189A0] =	vst v0  }
0x2b: {  	[tilespmem:$0x189B0] =	vst v0  }
0x2c: {  	[tilespmem:$0x189C0] =	vst v0  }
0x2d: {  	[tilespmem:$0x189D0] =	vst v0  }
0x2e: {  	[tilespmem:$0x189E0] =	vst v0  }
0x2f: {  	[tilespmem:$0x189F0] =	vst v0  }
0x30: {  	[tilespmem:$0x18A00] =	vst v0  }
0x31: {  	[tilespmem:$0x18A10] =	vst v0  }
0x32: {  	[tilespmem:$0x18A20] =	vst v0  }
0x33: {  	[tilespmem:$0x18A30] =	vst v0  }
0x34: {  	[tilespmem:$0x18A40] =	vst v0  }
0x35: {  	[tilespmem:$0x18A50] =	vst v0  }
0x36: {  	[tilespmem:$0x18A60] =	vst v0  }
0x37: {  	[tilespmem:$0x18A70] =	vst v0  }
0x38: {  	[tilespmem:$0x18A80] =	vst v0  }
0x39: {  	[tilespmem:$0x18A90] =	vst v0  }
0x3a: {  	[tilespmem:$0x18AA0] =	vst v0  }
0x3b: {  	[tilespmem:$0x18AB0] =	vst v0  }
0x3c: {  	[tilespmem:$0x18AC0] =	vst v0  }
0x3d: {  	[tilespmem:$0x18AD0] =	vst v0  }
0x3e: {  	[tilespmem:$0x18AE0] =	vst v0  }
0x3f: {  	s4 =	sadd.s32 $0x16200, s4;
	s10 =	simm.s32 $0x40;
	s11 =	simm.s32 $0x0;
	[tilespmem:$0x18AF0] =	vst v0;
	v0 =	vimm.f32 $1.000000000e+00  }
.LBB2_1:
0x40: {  	p0 =	sne.s32 s10, $0x13840;
	[tilespmem:s11+$0x13A00] =	vst v0;
	s11 =	smov.u32 s10;
	s10 =	sadd.s32 $0x40, s10  }
.Ltmp0:
0x41: {  	(pc) =	sbr.rel @p0 .LBB2_1-.Ltmp0, $2  }
0x42: {  	_ =	sdelay $0x2  }
0x43: {  	s11 =	sshra.s32 s11, $0x2  }
0x44: {  	[tilespmem:s11+$0x13A00] =	vst v0;
	s10 =	sadd.s32 s9, s6;
	s14 =	simm.s32 $0x18880;
	s13 =	simm.s32 $0x7  }
0x45: {  	[spmem:s10] =	stream.linear.scatter [tilespmem:s14], [sflag:$0x7], $0x280, $0x38;
	[tilespmem:$0x1A390] =	vst v63  }
0x46: {  	_ =	swait.ge [sflag:s13], $0x280  }
0x47: {  	[sflag:s13] =	ssyncset.done $0x0  }
0x48: {  	s11 =	sadd.s32 s9, s5;
	[sflag:s13] =	ssyncadd.s32 $0xFFFFFD80  }
0x49: {  	[spmem:s11] =	stream.linear.scatter [tilespmem:s14], [sflag:$0x7], $0x280, $0x38;
	[tilespmem:$0x1A390] =	vst v63  }
0x4a: {  	_ =	swait.ge [sflag:s13], $0x280  }
0x4b: {  	p0 =	sne.s32 s12, $0x0;
	[sflag:s13] =	ssyncset.done $0x0  }
0x4c: {  	s12 =	simm.s32 @!p0 $0x18880;
	s14 =	simm.s32 @!p0 $0x7;
	[sflag:s13] =	ssyncadd.s32 $0xFFFFFD80  }
0x4d: {  	[spmem:s3] =	stream.linear.scatter @!p0 [tilespmem:s12], [sflag:$0x7], $0x80, $0x38;
	[tilespmem:$0x1A390] =	vst v63  }
0x4e: {  	_ =	swait.ge @!p0 [sflag:s14], $0x80  }
0x4f: {  	[sflag:s14] =	ssyncset.done @!p0 $0x0  }
0x50: {  	[sflag:s14] =	ssyncadd.s32 @!p0 $0xFFFFFF80  }
0x51: {  	[spmem:s2] =	stream.linear.scatter @!p0 [tilespmem:s12], [sflag:$0x7], $0x80, $0x38;
	[tilespmem:$0x1A390] =	vst v63  }
0x52: {  	_ =	swait.ge @!p0 [sflag:s14], $0x80  }
0x53: {  	[sflag:s14] =	ssyncset.done @!p0 $0x0  }
0x54: {  	s19 =	simm.s32 $0x4;
	[sflag:s14] =	ssyncadd.s32 @!p0 $0xFFFFFF80  }
0x55: {  	_ =	swait.ge [sflag:s19], $0x280  }
0x56: {  	[sflag:s19] =	ssyncset.done $0x0  }
0x57: {  	s20 =	sadd.s32 s9, s7;
	s21 =	simm.s32 $0x18B00;
	[sflag:s19] =	ssyncadd.s32 $0xFFFFFD80  }
0x58: {  	[spmem:s20] =	stream.linear.scatter [tilespmem:s21], [sflag:$0x7], $0x280, $0x38;
	[tilespmem:$0x1A390] =	vst v63  }
0x59: {  	_ =	swait.ge [sflag:s13], $0x280  }
0x5a: {  	[sflag:s13] =	ssyncset.done $0x0  }
0x5b: {  	s22 =	simm.s32 $0x5;
	[sflag:s13] =	ssyncadd.s32 $0xFFFFFD80  }
0x5c: {  	_ =	swait.ge [sflag:s22], $0x280  }
0x5d: {  	[sflag:s22] =	ssyncset.done $0x0  }
0x5e: {  	s8 =	sadd.s32 s9, s8;
	s23 =	simm.s32 $0x18D80;
	[sflag:s22] =	ssyncadd.s32 $0xFFFFFD80  }
0x5f: {  	[spmem:s8] =	stream.linear.scatter [tilespmem:s23], [sflag:$0x7], $0x280, $0x38;
	[tilespmem:$0x1A390] =	vst v63  }
0x60: {  	_ =	swait.ge [sflag:s13], $0x280  }
0x61: {  	[sflag:s13] =	ssyncset.done $0x0  }
0x62: {  	s24 =	simm.s32 $0x1;
	[sflag:s13] =	ssyncadd.s32 $0xFFFFFD80  }
0x63: {  	_ =	swait.ge [sflag:s24], $0x4E20  }
0x64: {  	[sflag:s24] =	ssyncset.done $0x0  }
0x65: {  	s25 =	simm.s32 $0x2;
	[sflag:s24] =	ssyncadd.s32 $0xFFFFB1E0  }
0x66: {  	_ =	swait.ge [sflag:s25], $0x4E20  }
0x67: {  	[sflag:s25] =	ssyncset.done $0x0  }
0x68: {  	s26 =	simm.s32 $0x3;
	[sflag:s25] =	ssyncadd.s32 $0xFFFFB1E0  }
0x69: {  	_ =	swait.ge [sflag:s26], $0x4E20  }
0x6a: {  	[sflag:s26] =	ssyncset.done $0x0  }
0x6b: {  	s28 =	simm.s32 $0x6;
	[sflag:s26] =	ssyncadd.s32 $0xFFFFB1E0  }
0x6c: {  	_ =	swait.ge [sflag:s28], $0x280  }
0x6d: {  	[sflag:s28] =	ssyncset.done $0x0  }
0x6e: {  	s29 =	simm.s32 $0x4E20;
	[sflag:s28] =	ssyncadd.s32 $0xFFFFFD80  }
0x6f: {  	s30 =	simm.s32 $0x0;
	s31 =	simm.s32 $0xEB80;
	[bflag:$0x0] =	sbarrier.arrive $0xFFFF  }
0x70: {  	[tilespmem:s31], [sflag:$0x7] =	stream.indirect.gather [spmem:s7], $0x1, s30, s29, $0xb8;
	[tilespmem:$0x1A390] =	vst v63  }
0x71: {  	_ =	swait.ge [sflag:s13], $0x4E20  }
0x72: {  	[sflag:s13] =	ssyncset.done $0x0  }
0x73: {  	s7 =	simm.s32 $0x0;
	[sflag:s13] =	ssyncadd.s32 $0xFFFFB1E0  }
0x74: {  	s9 =	simm.s32 $0x40;
	v0 =	vld [tilespmem:s7+$0x9D00]  }
.LBB2_3:
0x75: {  	p1 =	sne.s32 s9, $0x13840;
	v1 =	vld [tilespmem:s7+$0xEB80];
	_ =	sdelay $0x2  }
.Ltmp1:
0x76: {  	(pc) =	sbr.rel @p1 .LBB2_3-.Ltmp1, $4  }
0x77: {  	_ = 	snop  }
0x78: {  	v1 =	vmul.f32 v0, v1  }
0x79: {  	s12 =	sshra.s32 s9, $0x2  }
0x7a: {  	s9 =	sadd.s32 $0x40, s9;
	v0 =	vld [tilespmem:s12+$0x9D00];
	[tilespmem:s7+$0xEB80] =	vst v1;
	s7 =	smov.u32 s12  }
0x7b: {  	v1 =	vld [tilespmem:s7+$0xEB80];
	_ =	sdelay $0x4  }
0x7c: {  	v0 =	vmul.f32 v0, v1;
	_ =	sdelay $0x1  }
0x7d: {  	s23 =	simm.s32 $0x4E20;
	s9 =	simm.s32 $0x4E80;
	s12 =	simm.s32 $0xEB80;
	[tilespmem:s7+$0xEB80] =	vst v0  }
0x7e: {  	[spmem:s6] =	stream.indirect.scatter.add.f32 [tilespmem:s12], [sflag:$0x4], $0x1, s9, s23, $0xb8;
	[tilespmem:$0x1A390] =	vst v63  }
0x7f: {  	s24 =	simm.s32 $0x13A00;
	s25 =	simm.s32 $0x4  }
0x80: {  	[spmem:s5] =	stream.indirect.scatter.add.f32 [tilespmem:s24], [sflag:$0x5], $0x1, s9, s23, $0xb8;
	[tilespmem:$0x1A390] =	vst v63  }
0x81: {  	_ =	swait.ge [sflag:s25], $0x4E20  }
0x82: {  	[sflag:s25] =	ssyncset.done $0x0  }
0x83: {  	s26 =	simm.s32 $0x5;
	[sflag:s25] =	ssyncadd.s32 $0xFFFFB1E0  }
0x84: {  	_ =	swait.ge [sflag:s26], $0x4E20  }
0x85: {  	[sflag:s26] =	ssyncset.done $0x0  }
0x86: {  	[sflag:s26] =	ssyncadd.s32 $0xFFFFB1E0  }
0x87: {  	s28 =	simm.s32 $0x18B00;
	[bflag:$0x0] =	sbarrier.arrive $0xFFFF  }
0x88: {  	[tilespmem:s28], [sflag:$0x4] =	stream.linear.gather [spmem:s10], $0x280, $0x38;
	[tilespmem:$0x1A390] =	vst v63  }
0x89: {  	s29 =	simm.s32 $0x18D80  }
0x8a: {  	[tilespmem:s29], [sflag:$0x5] =	stream.linear.gather [spmem:s11], $0x280, $0x38;
	[tilespmem:$0x1A390] =	vst v63  }
0x8b: {  	s30 =	simm.s32 $0x19000  }
0x8c: {  	[tilespmem:s30], [sflag:$0x6] =	stream.linear.gather [spmem:s8], $0x280, $0x38;
	[tilespmem:$0x1A390] =	vst v63  }
0x8d: {  	_ =	swait.ge [sflag:s25], $0x280  }
0x8e: {  	[sflag:s25] =	ssyncset.done $0x0  }
0x8f: {  	[sflag:s25] =	ssyncadd.s32 $0xFFFFFD80  }
0x90: {  	_ =	swait.ge [sflag:s26], $0x280  }
0x91: {  	[sflag:s26] =	ssyncset.done $0x0  }
0x92: {  	s31 =	simm.s32 $0x6;
	[sflag:s26] =	ssyncadd.s32 $0xFFFFFD80  }
0x93: {  	_ =	swait.ge [sflag:s31], $0x280  }
0x94: {  	[sflag:s31] =	ssyncset.done $0x0  }
0x95: {  	s7 =	simm.s32 $0x0;
	[sflag:s31] =	ssyncadd.s32 $0xFFFFFD80  }
0x96: {  	v0 =	vld [tilespmem:s7+$0x18D80];
	_ =	sdelay $0x4  }
0x97: {  	v0 =	vmax.f32 v0, $1.000000000e+00  }
0x98: {  	(erf) = vrcp.f32 v0;
	_ =	sdelay $0x1  }
0x99: {  	s5 =	simm.s32 $0x10  }
0x9a: {  	v0 =	vld [tilespmem:s5+$0x18D80];
	_ =	sdelay $0x4  }
0x9b: {  	s6 =	simm.s32 $0x20;
	v2 =	vld [tilespmem:s7+$0x18B00];
	v1 =	vmax.f32 v0, $1.000000000e+00  }
0x9c: {  	v0 =	vld [tilespmem:s6+$0x18D80];
	v3 =	vpop (erf);
	(erf) = vrcp.f32 v1  }
0x9d: {  	v1 =	vld [tilespmem:s7+$0x19000];
	_ =	sdelay $0x2  }
0x9e: {  	s8 =	simm.s32 $0xC0;
	v2 =	vmul.f32 v3, v2  }
.LBB2_5:
0x9f: {  	s9 =	sshra.s32 s8, $0x2;
	p1 =	sne.s32 s8, $0x9C0;
	s8 =	sadd.s32 $0x40, s8;
	v3 =	vmax.f32 v0, $1.000000000e+00;
	v4 =	vld [tilespmem:s5+$0x18B00]  }
.Ltmp2:
0xa0: {  	v0 =	vld [tilespmem:s9+$0x18D80];
	(erf) = vrcp.f32 v3;
	v2 =	vadd.f32 v2, v1;
	(pc) =	sbr.rel @p1 .LBB2_5-.Ltmp2, $4  }
0xa1: {  	v1 =	vld [tilespmem:s5+$0x19000]  }
0xa2: {  	v2 =	vmax.f32 v2, $0.0e+00  }
0xa3: {  	v3 =	vpop (erf);
	[tilespmem:s7+$0x19280] =	vst v2;
	s7 =	smov.u32 s5;
	s5 =	smov.u32 s6;
	s6 =	smov.u32 s9  }
0xa4: {  	v2 =	vmul.f32 v3, v4  }
0xa5: {  	v0 =	vmax.f32 v0, $1.000000000e+00  }
0xa6: {  	(erf) = vrcp.f32 v0  }
0xa7: {  	v60 =	vadd.f32 v2, v1;
	_ =	sdelay $0x1  }
0xa8: {  	v61 =	vld [tilespmem:s5+$0x18B00];
	v0 =	vmax.f32 v60, $0.0e+00  }
0xa9: {  	v62 =	vld [tilespmem:s5+$0x19000];
	[tilespmem:s7+$0x19280] =	vst v0  }
0xaa: {  	v0 =	vld [tilespmem:s6+$0x18B00];
	_ =	sdelay $0x1  }
0xab: {  	v3 =	vld [tilespmem:s6+$0x19000]  }
0xac: {  	v4 =	vpop (erf)  }
0xad: {  	v1 =	vmul.f32 v4, v61;
	v63 =	vpop (erf)  }
0xae: {  	v0 =	vmul.f32 v63, v0  }
0xaf: {  	v1 =	vadd.f32 v1, v62  }
0xb0: {  	v0 =	vadd.f32 v0, v3  }
0xb1: {  	v1 =	vmax.f32 v1, $0.0e+00  }
0xb2: {  	[tilespmem:s5+$0x19280] =	vst v1;
	v0 =	vmax.f32 v0, $0.0e+00  }
0xb3: {  	s25 =	simm.s32 $0x280;
	s26 =	simm.s32 $0x19500;
	s28 =	simm.s32 $0x19280;
	[tilespmem:s6+$0x19280] =	vst v0  }
0xb4: {  	[spmem:s3] =	stream.indirect.scatter.add.f32 [tilespmem:s28], [sflag:$0x4], $0x1, s26, s25, $0xb8;
	[tilespmem:$0x1A390] =	vst v63  }
0xb5: {  	s29 =	simm.s32 $0x13A00;
	s30 =	simm.s32 $0x4  }
0xb6: {  	[spmem:s2] =	stream.indirect.scatter.add.f32 [tilespmem:s29], [sflag:$0x5], $0x1, s26, s25, $0xb8;
	[tilespmem:$0x1A390] =	vst v63  }
0xb7: {  	_ =	swait.ge [sflag:s30], $0x280  }
0xb8: {  	[sflag:s30] =	ssyncset.done $0x0  }
0xb9: {  	s31 =	simm.s32 $0x5;
	[sflag:s30] =	ssyncadd.s32 $0xFFFFFD80  }
0xba: {  	_ =	swait.ge [sflag:s31], $0x280  }
0xbb: {  	[sflag:s31] =	ssyncset.done $0x0  }
0xbc: {  	[sflag:s31] =	ssyncadd.s32 $0xFFFFFD80  }
0xbd: {  	[bflag:$0x0] =	sbarrier.arrive $0xFFFF  }
0xbe: {  	_ =	sfence.sel @p0 $0x180000  }
0xbf: {  	[bflag:$0x0] =	sbarrier.arrive @p0 $0xFFFF  }
0xc0: {  	_ =	strace @p0 $0x90000047  }
0xc1: {  	[bflag:$0x2] =	sbarrier.arrive @p0 $0xFFFF  }
0xc2: {  	_ =	shalt @p0  }
.LBB2_7:
0xc3: {  	s5 =	simm.s32 $0x19780;
	s25 =	simm.s32 $0x7  }
0xc4: {  	[tilespmem:s5], [sflag:$0x7] =	stream.linear.gather [spmem:s3], $0x40, $0x38;
	[tilespmem:$0x1A390] =	vst v63  }
0xc5: {  	_ =	swait.ge [sflag:s25], $0x40  }
0xc6: {  	[sflag:s25] =	ssyncset.done $0x0  }
0xc7: {  	s26 =	simm.s32 $0x19800;
	[sflag:s25] =	ssyncadd.s32 $0xFFFFFFC0  }
0xc8: {  	[tilespmem:s26], [sflag:$0x7] =	stream.linear.gather [spmem:s2], $0x40, $0x38;
	[tilespmem:$0x1A390] =	vst v63  }
0xc9: {  	_ =	swait.ge [sflag:s25], $0x40  }
0xca: {  	[sflag:s25] =	ssyncset.done $0x0  }
0xcb: {  	s28 =	simm.s32 $0x0;
	s29 =	simm.s32 $0x19900;
	[sflag:s25] =	ssyncadd.s32 $0xFFFFFFC0  }
0xcc: {  	[tilespmem:s29], [sflag:$0x7] =	stream.linear.gather [hbm4b:s4+s28], $0x20, $0x38;
	[tilespmem:$0x1A390] =	vst v63  }
0xcd: {  	_ =	swait.ge [sflag:s25], $0x20  }
0xce: {  	[sflag:s25] =	ssyncset.done $0x0  }
0xcf: {  	[sflag:s25] =	ssyncadd.s32 $0xFFFFFFE0  }
0xd0: {  	v0 =	vld [tilespmem:$0x19800];
	_ =	sdelay $0x4  }
0xd1: {  	v0 =	vmax.f32 v0, $1.000000000e+00  }
0xd2: {  	(erf) = vrcp.f32 v0;
	_ =	sdelay $0x4  }
0xd3: {  	v54 =	vld [tilespmem:$0x19780];
	_ =	sdelay $0x1  }
0xd4: {  	v1 =	vld [tilespmem:$0x19900];
	_ =	sdelay $0x1  }
0xd5: {  	v2 =	vld [tilespmem:$0x19910];
	v3 =	vpop (erf)  }
0xd6: {  	v0 =	vmul.f32 v3, v54;
	_ =	sdelay $0x1  }
0xd7: {  	v0 =	vmul.f32 v0, v1;
	_ =	sdelay $0x1  }
0xd8: {  	v0 =	vadd.f32 v0, v2;
	_ =	sdelay $0x1  }
0xd9: {  	v0 =	vsub.f32 $0.0e+00, v0;
	_ =	sdelay $0x1  }
0xda: {  	v0 =	vmul.f32 $1.442695020e+00, v0;
	_ =	sdelay $0x1  }
0xdb: {  	(erf) = vpow2.f32 v0;
	_ =	sdelay $0x6  }
0xdc: {  	v55 =	vld [tilespmem:$0x19810];
	_ =	sdelay $0x1  }
0xdd: {  	v56 =	vpop (erf)  }
0xde: {  	v3 =	vadd.f32 $1.000000000e+00, v56;
	_ =	sdelay $0x1  }
0xdf: {  	v0 =	vmax.f32 v55, $1.000000000e+00;
	(erf) = vrcp.f32 v3  }
0xe0: {  	(erf) = vrcp.f32 v0;
	_ =	sdelay $0x4  }
0xe1: {  	v57 =	vld [tilespmem:$0x19790];
	_ =	sdelay $0x2  }
0xe2: {  	v3 =	vpop (erf)  }
0xe3: {  	v4 =	vpop (erf)  }
0xe4: {  	v0 =	vmul.f32 v4, v57;
	_ =	sdelay $0x1  }
0xe5: {  	v0 =	vmul.f32 v0, v1;
	_ =	sdelay $0x1  }
0xe6: {  	v0 =	vadd.f32 v0, v2;
	_ =	sdelay $0x1  }
0xe7: {  	v0 =	vsub.f32 $0.0e+00, v0;
	_ =	sdelay $0x1  }
0xe8: {  	v0 =	vmul.f32 $1.442695020e+00, v0;
	_ =	sdelay $0x1  }
0xe9: {  	(erf) = vpow2.f32 v0;
	_ =	sdelay $0x6  }
0xea: {  	v58 =	vld [tilespmem:$0x19820];
	_ =	sdelay $0x1  }
0xeb: {  	v59 =	vpop (erf)  }
0xec: {  	v4 =	vadd.f32 $1.000000000e+00, v59;
	_ =	sdelay $0x1  }
0xed: {  	v0 =	vmax.f32 v58, $1.000000000e+00;
	(erf) = vrcp.f32 v4  }
0xee: {  	(erf) = vrcp.f32 v0;
	_ =	sdelay $0x4  }
0xef: {  	v60 =	vld [tilespmem:$0x197A0];
	_ =	sdelay $0x2  }
0xf0: {  	v4 =	vpop (erf)  }
0xf1: {  	v5 =	vpop (erf)  }
0xf2: {  	v0 =	vmul.f32 v5, v60;
	_ =	sdelay $0x1  }
0xf3: {  	v0 =	vmul.f32 v0, v1;
	_ =	sdelay $0x1  }
0xf4: {  	v0 =	vadd.f32 v0, v2;
	_ =	sdelay $0x1  }
0xf5: {  	v0 =	vsub.f32 $0.0e+00, v0;
	_ =	sdelay $0x1  }
0xf6: {  	v0 =	vmul.f32 $1.442695020e+00, v0;
	_ =	sdelay $0x1  }
0xf7: {  	(erf) = vpow2.f32 v0;
	_ =	sdelay $0x6  }
0xf8: {  	v61 =	vld [tilespmem:$0x19830];
	_ =	sdelay $0x1  }
0xf9: {  	v62 =	vpop (erf)  }
0xfa: {  	v5 =	vadd.f32 $1.000000000e+00, v62;
	_ =	sdelay $0x1  }
0xfb: {  	v0 =	vmax.f32 v61, $1.000000000e+00;
	(erf) = vrcp.f32 v5  }
0xfc: {  	(erf) = vrcp.f32 v0;
	_ =	sdelay $0x4  }
0xfd: {  	v63 =	vld [tilespmem:$0x197B0];
	_ =	sdelay $0x2  }
0xfe: {  	v5 =	vpop (erf)  }
0xff: {  	v6 =	vpop (erf)  }
0x100: {  	v0 =	vmul.f32 v6, v63;
	_ =	sdelay $0x1  }
0x101: {  	v0 =	vmul.f32 v0, v1;
	_ =	sdelay $0x1  }
0x102: {  	v0 =	vadd.f32 v0, v2;
	_ =	sdelay $0x1  }
0x103: {  	v0 =	vsub.f32 $0.0e+00, v0;
	_ =	sdelay $0x1  }
0x104: {  	v0 =	vmul.f32 $1.442695020e+00, v0;
	_ =	sdelay $0x1  }
0x105: {  	(erf) = vpow2.f32 v0;
	_ =	sdelay $0x8  }
0x106: {  	v0 =	vpop (erf)  }
0x107: {  	v0 =	vadd.f32 $1.000000000e+00, v0;
	_ =	sdelay $0x1  }
0x108: {  	(erf) = vrcp.f32 v0;
	_ =	sdelay $0x6  }
0x109: {  	[tilespmem:$0x19880] =	vst v3  }
0x10a: {  	[tilespmem:$0x19890] =	vst v4  }
0x10b: {  	[tilespmem:$0x198A0] =	vst v5;
	v0 =	vpop (erf)  }
0x10c: {  	s30 =	simm.s32 $0x19880;
	[tilespmem:$0x198B0] =	vst v0  }
0x10d: {  	[hbm4b:s0+s28] =	stream.linear.scatter [tilespmem:s30], [sflag:$0x7], $0x80, $0x38;
	[tilespmem:$0x1A390] =	vst v63  }
0x10e: {  	_ =	swait.ge [sflag:s25], $0x80  }
0x10f: {  	[sflag:s25] =	ssyncset.done $0x0  }
0x110: {  	[sflag:s25] =	ssyncadd.s32 $0xFFFFFF80  }
0x111: {  	_ =	sfence.sel $0x180000  }
0x112: {  	[bflag:$0x0] =	sbarrier.arrive $0xFFFF  }
0x113: {  	_ =	strace $0x90000047  }
0x114: {  	s31 =	sadd.s32 $0x100000, s1;
	[bflag:$0x2] =	sbarrier.arrive $0xFFFF  }
0x115: {  	[sflag:s31] =	ssyncadd.tile.s32 $0x1;
	_ =	shalt  }
.Lfunc_end2:
_tile_overlayer_lowered:
.L_overlay_start_2:
0x116: {  	(tag) =	ssettag $0x2  }
0x117: {  	s0 =	rddreg [dreg:$0x0];
	s2 =	stileid.u32  }
0x118: {  	s1 =	rddreg [dreg:$0x1];
	p0 =	sne.s32 s2, $0x0  }
0x119: {  	s3 =	rddreg [dreg:$0x2];
	[bflag:$0x3] =	sbarrier.arrive $0xFFFF;
	s2 =	simm.s32 @!p0 $0x1C07  }
0x11a: {  	[timem:s3], [sflag:s2] =	dma.local @!p0 [hbm:s0], s1  }
0x11b: {  	s0 =	simm.s32 @!p0 $0x7  }
0x11c: {  	_ =	swait.ge @!p0 [sflag:s0], s1  }
0x11d: {  	s1 =	ssub.s32 @!p0 $0x0, s1;
	[sflag:s0] =	ssyncset.done @!p0 $0x0  }
0x11e: {  	[sflag:s0] =	ssyncadd.s32 @!p0 s1  }
0x11f: {  	[bflag:$0x3] =	sbarrier.arrive $0xFFFF  }
0x120: {  	_ =	shalt  }

</sc_bundles>
